<compile_context>
chip_gen: v7x
topology: tpu7x:2x2x1
jax: 0.10.2.dev20260603
libtpu: 0.0.44.dev20260713+nightly
codegen_flags: <defaults>
</compile_context>

<pallas_src>
import functools
import math

import jax
import jax.numpy as jnp
from jax import lax
from jax.experimental import pallas as pl
from jax.experimental.pallas import tpu as pltpu
from jax.experimental.pallas import tpu_sc as plsc

B, L, D, H = 2, 2048, 1024, 16
HD = D // H
NPAIR = H // 2
K_TOP = math.ceil(math.sqrt(L))
KSEL = 48
NIDX = 96
LBLK = 512
NL = L // LBLK
MBLK = 512
SCALE = 1.0 / math.sqrt(HD)
LOG2E = math.log2(math.e)

F32 = jnp.float32
BF16 = jnp.bfloat16


def _select_kernel(x_ref, selw_ref, idx_ref, t_ref, idxg_ref):
    rows = []
    for b in range(B):
        col = jnp.sum(x_ref[b] * selw_ref[...], axis=1, keepdims=True)
        rows.append(jnp.transpose(col).reshape(1, 1, L))
    vals0 = jnp.concatenate(rows, axis=0)
    pos = jax.lax.broadcasted_iota(jnp.int32, (B, 1, L), 2)
    lanek = jax.lax.broadcasted_iota(jnp.int32, (B, 1, KSEL), 2)

    def body(i, carry):
        vals, idxv = carry
        m = jnp.max(vals, axis=2, keepdims=True)
        cand = jnp.where(vals == m, pos, L)
        jv = jnp.min(cand, axis=2, keepdims=True)
        idxv = jnp.where(lanek == i, jv, idxv)
        vals = jnp.where(pos == jv, -1e30, vals)
        return vals, idxv

    idx0 = jnp.zeros((B, 1, KSEL), jnp.int32)
    _, idxv = jax.lax.fori_loop(0, K_TOP, body, (vals0, idx0))
    idx_ref[...] = idxv

    eye_r = jax.lax.broadcasted_iota(jnp.int32, (KSEL, KSEL), 0)
    eye_c = jax.lax.broadcasted_iota(jnp.int32, (KSEL, KSEL), 1)
    eye = (eye_r == eye_c).astype(F32)
    idx_f = idxv.astype(F32)
    for b in range(B):
        t_col = jax.lax.dot_general(eye, idx_f[b], (((1,), (1,)), ((), ())),
                                    preferred_element_type=F32)
        t_ref[b] = t_col
    idxg_ref[...] = jnp.concatenate(
        [idxv[b_] + b_ * L for b_ in range(B)], axis=1)


def _select(x, selw):
    return pl.pallas_call(
        _select_kernel,
        grid=(1,),
        in_specs=[
            pl.BlockSpec((B, L, D), lambda i: (0, 0, 0)),
            pl.BlockSpec((1, D), lambda i: (0, 0)),
        ],
        out_specs=[
            pl.BlockSpec((B, 1, KSEL), lambda i: (0, 0, 0)),
            pl.BlockSpec((B, KSEL, 1), lambda i: (0, 0, 0)),
            pl.BlockSpec((1, NIDX), lambda i: (0, 0)),
        ],
        out_shape=[
            jax.ShapeDtypeStruct((B, 1, KSEL), jnp.int32),
            jax.ShapeDtypeStruct((B, KSEL, 1), F32),
            jax.ShapeDtypeStruct((1, NIDX), jnp.int32),
        ],
    )(x, selw)


def _sc_gather(x_rows, idxg):
    nc, ns = 2, 16
    nper = 8
    nw = NIDX // nper
    mesh = plsc.VectorSubcoreMesh(core_axis_name="c", subcore_axis_name="s")

    @functools.partial(
        pl.kernel, mesh=mesh,
        out_type=jax.ShapeDtypeStruct((NIDX, D), F32),
        scratch_types=[
            pltpu.VMEM((nper,), jnp.int32),
            pltpu.VMEM((nper, D), F32),
            pltpu.SemaphoreType.DMA,
        ],
    )
    def k(x_hbm, idx_hbm, out_hbm, idx_v, rows_v, sem):
        wid = lax.axis_index("s") * nc + lax.axis_index("c")

        @pl.when(wid < nw)
        def _():
            base = wid * nper
            pltpu.sync_copy(idx_hbm.at[pl.ds(base, nper)], idx_v)
            pltpu.async_copy(x_hbm.at[idx_v], rows_v, sem).wait()
            pltpu.sync_copy(rows_v, out_hbm.at[pl.ds(base, nper)])

    return k(x_rows, idxg)


def _fused_attn_kernel(x_ref, wq_ref, bq_ref, wkv_ref, bkv_ref, ow_ref,
                       ob_ref, selw_ref, xs_ref, t_ref, src_ref,
                       qs_ref, kv_ref):
    lblk = pl.program_id(1)

    @pl.when(lblk == 0)
    def _init():
        xsb = xs_ref[0].astype(BF16)
        for g in range(NPAIR):
            qs_ref[g] = jax.lax.dot_general(
                xsb, wq_ref[g], (((1,), (1,)), ((), ())),
                preferred_element_type=F32) + bq_ref[g]

    xb = x_ref[0].astype(BF16)
    kv = jax.lax.dot_general(xb, wkv_ref[...], (((1,), (1,)), ((), ())),
                             preferred_element_type=F32) + bkv_ref[...]
    kvb = kv.astype(BF16)
    for g in range(2 * NPAIR):
        kv_ref[g, pl.ds(lblk * LBLK, LBLK), :] = kvb[:, 128 * g:128 * (g + 1)]

    @pl.when(lblk == NL - 1)
    def _finalize():
        t = t_ref[0]
        colp = jax.lax.broadcasted_iota(jnp.int32, (KSEL, L), 1).astype(F32)
        causal2 = jnp.where(colp <= t, 0.0, -10000.0 * LOG2E)
        lane128 = jax.lax.broadcasted_iota(jnp.int32, (1, 128), 1)
        m0 = (lane128 < HD).astype(F32)
        m1 = 1.0 - m0
        qscales = (m0 * (SCALE * LOG2E), m1 * (SCALE * LOG2E))
        maskbs = (m0.astype(BF16), m1.astype(BF16))
        parts = []
        for g in range(NPAIR):
            kp = kv_ref[g]
            vp = kv_ref[NPAIR + g]
            q = qs_ref[g]
            ctx_pair = jnp.zeros((KSEL, 128), F32)
            ls = []
            for h in range(2):
                qb = (q * qscales[h]).astype(BF16)
                s2 = jax.lax.dot_general(qb, kp, (((1,), (1,)), ((), ())),
                                         preferred_element_type=F32)
                s2 = s2 + causal2
                p = jnp.exp2(s2 - jnp.max(s2, axis=1, keepdims=True))
                ls.append(jnp.sum(p, axis=1, keepdims=True))
                ctx_pair = ctx_pair + jax.lax.dot_general(
                    p.astype(BF16), vp * maskbs[h], (((1,), (0,)), ((), ())),
                    preferred_element_type=F32)
            denom = ls[0] * m0 + ls[1] * m1
            parts.append(ctx_pair / denom)
        ctx = jnp.concatenate(parts, axis=1)
        attn = jax.lax.dot_general(ctx.astype(BF16), ow_ref[...],
                                   (((1,), (1,)), ((), ())),
                                   preferred_element_type=F32) + ob_ref[...]
        logit = jnp.sum(xs_ref[0] * selw_ref[...], axis=1, keepdims=True)
        src_ref[0] = attn * jax.nn.sigmoid(logit)


def _fused_attn(x, wq3b, bq3, wkvb, bkv, out_wb, obr, selw, x_sel, t_col):
    return pl.pallas_call(
        _fused_attn_kernel,
        grid=(B, NL),
        in_specs=[
            pl.BlockSpec((1, LBLK, D), lambda b, i: (b, i, 0)),
            pl.BlockSpec((NPAIR, 128, D), lambda b, i: (0, 0, 0)),
            pl.BlockSpec((NPAIR, 1, 128), lambda b, i: (0, 0, 0)),
            pl.BlockSpec((2 * D, D), lambda b, i: (0, 0)),
            pl.BlockSpec((1, 2 * D), lambda b, i: (0, 0)),
            pl.BlockSpec((D, D), lambda b, i: (0, 0)),
            pl.BlockSpec((1, D), lambda b, i: (0, 0)),
            pl.BlockSpec((1, D), lambda b, i: (0, 0)),
            pl.BlockSpec((1, KSEL, D), lambda b, i: (b, 0, 0)),
            pl.BlockSpec((1, KSEL, 1), lambda b, i: (b, 0, 0)),
        ],
        out_specs=pl.BlockSpec((1, KSEL, D), lambda b, i: (b, 0, 0)),
        out_shape=jax.ShapeDtypeStruct((B, KSEL, D), F32),
        scratch_shapes=[
            pltpu.VMEM((NPAIR, KSEL, 128), F32),
            pltpu.VMEM((2 * NPAIR, L, 128), BF16),
        ],
    )(x, wq3b, bq3, wkvb, bkv, out_wb, obr, selw, x_sel, t_col)


def _merge_kernel(x_ref, src_ref, idx_ref, y_ref):
    base = pl.program_id(1) * MBLK
    rows = jax.lax.broadcasted_iota(jnp.int32, (MBLK, KSEL), 0) + base
    cols = jax.lax.broadcasted_iota(jnp.int32, (MBLK, KSEL), 1)
    idxr = idx_ref[0]
    p = jnp.logical_and(rows == idxr, cols < K_TOP).astype(BF16)
    y_ref[0] = x_ref[0] + jax.lax.dot_general(
        p, src_ref[0].astype(BF16), (((1,), (0,)), ((), ())),
        preferred_element_type=F32)


def _merge(x, src, idx):
    nm = L // MBLK
    return pl.pallas_call(
        _merge_kernel,
        grid=(B, nm),
        in_specs=[
            pl.BlockSpec((1, MBLK, D), lambda b, i: (b, i, 0)),
            pl.BlockSpec((1, KSEL, D), lambda b, i: (b, 0, 0)),
            pl.BlockSpec((1, 1, KSEL), lambda b, i: (b, 0, 0)),
        ],
        out_specs=pl.BlockSpec((1, MBLK, D), lambda b, i: (b, i, 0)),
        out_shape=jax.ShapeDtypeStruct((B, L, D), F32),
    )(x, src, idx)


@jax.jit
def kernel(x, Wqkv_w, Wqkv_b, sel_w, out_w, out_b):
    wq = Wqkv_w[:D]
    wkv = Wqkv_w[D:]
    bq3 = Wqkv_b[:D].reshape(NPAIR, 1, 128)
    bkv = Wqkv_b[D:].reshape(1, 2 * D)
    selw = sel_w.reshape(1, D)
    obr = out_b.reshape(1, D)
    wq3b = wq.reshape(NPAIR, 128, D).astype(BF16)
    wkvb = wkv.astype(BF16)
    out_wb = out_w.astype(BF16)

    idx, t_col, idxg = _select(x, selw)
    x_sel = _sc_gather(x.reshape(B * L, D),
                       idxg.reshape(NIDX)).reshape(B, KSEL, D)
    src = _fused_attn(x, wq3b, bq3, wkvb, bkv, out_wb, obr, selw, x_sel,
                      t_col)
    return _merge(x, src, idx)

# --- scband reference (transcript-rebuilt; emitter-appended) ---
"""Pipeline reference for scband-sigmoid-lookups-56719338111468 (READ-ONLY COPY).

The authoritative reference and input builder live on the scoring server;
editing this copy changes nothing except your own understanding.
"""

import jax, jax.numpy as jnp
import numpy as np
import math

B, L, D, H = 2, 2048, 1024, 16

def setup_inputs(seed: int = 0) -> dict:
    key = jax.random.key(seed)
    ks = jax.random.split(key, 6)
    s = 1.0 / math.sqrt(D)
    x = jax.random.normal(ks[0], (B, L, D), dtype=jnp.float32)
    Wqkv_w = jax.random.normal(ks[1], (3 * D, D), dtype=jnp.float32) * s
    Wqkv_b = jnp.zeros((3 * D,), dtype=jnp.float32)
    sel_w = jax.random.normal(ks[2], (1, D), dtype=jnp.float32) * s
    out_w = jax.random.normal(ks[3], (D, D), dtype=jnp.float32) * s
    out_b = jnp.zeros((D,), dtype=jnp.float32)
    return {"x": x, "Wqkv_w": Wqkv_w, "Wqkv_b": Wqkv_b, "sel_w": sel_w, "out_w": out_w, "out_b": out_b}

def reference(x, Wqkv_w, Wqkv_b, sel_w, out_w, out_b):
    b, l, d = x.shape
    head_dim = d // H
    # Wqkv projection
    qkv = x @ Wqkv_w.T + Wqkv_b  # [b, l, 3d]
    qkv = qkv.reshape(b, l, 3, H, head_dim)
    q = qkv[:, :, 0]
    k = qkv[:, :, 1]
    v = qkv[:, :, 2]
    softmax_scale = 1.0 / math.sqrt(head_dim)
    scores = jnp.einsum('bthd,bshd->bhts', q, k * softmax_scale)
    causal_mask = jnp.triu(jnp.full((l, l), -10000.0, dtype=scores.dtype), 1)
    scores = scores + causal_mask
    attention = jax.nn.softmax(scores, axis=-1)
    context = jnp.einsum('bhts,bshd->bthd', attention, v)  # [b, l, H, head_dim]
    attn_output = context.reshape(b, l, d) @ out_w.T + out_b  # [b, l, d]
    selection = jax.nn.sigmoid(x @ sel_w.T)  # [b, l, 1]
    # eval path: top-k selection over sequence dim, gather, scatter-add into x
    k_top = math.ceil(math.sqrt(l))
    sel_flat = selection[..., 0]  # [b, l]
    _, idx = jax.lax.top_k(sel_flat, k_top)  # [b, k_top]
    weighted = attn_output * selection  # [b, l, d]
    src = jnp.take_along_axis(weighted, idx[:, :, None], axis=1)  # [b, k_top, d]
    bi = jnp.arange(b)[:, None]
    y = x.at[bi, idx, :].add(src)
    return y

if __name__ == "__main__":
    import jax
    _d = setup_inputs()
    print(jax.jit(kernel)(*tuple(_d.values())))

</pallas_src>

<mosaic_0001>
#map = affine_map<(d0, d1) -> (0, 0)>
#map1 = affine_map<(d0, d1) -> (0)>
module attributes {stable_mosaic.version = 14 : i64} {
  func.func @k(%arg0: i32, %arg1: i32, %arg2: memref<4096x1024xf32, #tpu.memory_space<hbm>>, %arg3: memref<96xi32, #tpu.memory_space<hbm>>, %arg4: memref<96x1024xf32, #tpu.memory_space<hbm>>, %arg5: memref<8xi32, #tpu.memory_space<vmem>>, %arg6: memref<8x1024xf32, #tpu.memory_space<vmem>>, %arg7: memref<!tpu.dma_semaphore, #tpu.memory_space<semaphore_mem>>) attributes {dimension_semantics = [#tpu.dimension_semantics<core_parallel>, #tpu.dimension_semantics<subcore_parallel>], iteration_bounds = array<i64: 2, 16>, scalar_prefetch = 0 : i64, scratch_operands = 3 : i64, tpu.core_type = #tpu.core_type<sc_vector_subcore>, window_params = [{transform_indices = #map}, {transform_indices = #map1}, {transform_indices = #map}]} {
    %mul3A = arith.constant 2 : i32
    %mul3A_0 = arith.muli %arg1, %mul3A : i32
    %add3A = arith.addi %mul3A_0, %arg0 : i32
    %lt3A = arith.constant 12 : i32
    %lt3A_1 = arith.cmpi slt, %add3A, %lt3A : i32
    %convert_element_type3A = arith.extui %lt3A_1 : i1 to i32
    %cond3A = arith.constant 0 : i32
    %cond3A_2 = arith.cmpi ne, %convert_element_type3A, %cond3A : i32
    scf.if %cond3A_2 {
      %mul3A_3 = arith.constant 8 : i32
      %mul3A_4 = arith.muli %add3A, %mul3A_3 : i32
      "tpu.region"() ({
        %run_scoped3A = tpu.sem_alloc : memref<!tpu.dma_semaphore, #tpu.memory_space<semaphore_mem>>
        %dma_start3A_9 = tpu.memref_slice %arg3[%mul3A_4] : memref<96xi32, #tpu.memory_space<hbm>> -> memref<8xi32, #tpu.memory_space<hbm>>
        %dma_start3A_10 = tpu.memref_slice %arg3[%mul3A_4] : memref<96xi32, #tpu.memory_space<hbm>> -> memref<8xi32, #tpu.memory_space<hbm>>
        tpu.enqueue_dma source(%dma_start3A_10 : memref<8xi32, #tpu.memory_space<hbm>>) target(%arg5 : memref<8xi32, #tpu.memory_space<vmem>>) target_semaphore(%run_scoped3A : memref<!tpu.dma_semaphore, #tpu.memory_space<semaphore_mem>>)
        %dma_wait3A_11 = tpu.memref_slice %arg3[%mul3A_4] : memref<96xi32, #tpu.memory_space<hbm>> -> memref<8xi32, #tpu.memory_space<hbm>>
        %dma_wait3A_12 = tpu.memref_slice %arg3[%mul3A_4] : memref<96xi32, #tpu.memory_space<hbm>> -> memref<8xi32, #tpu.memory_space<hbm>>
        tpu.wait_dma2 semaphore(%run_scoped3A : memref<!tpu.dma_semaphore, #tpu.memory_space<semaphore_mem>>) src(%dma_wait3A_12 : memref<8xi32, #tpu.memory_space<hbm>>) dst(%arg5 : memref<8xi32, #tpu.memory_space<vmem>>)
        tpu.yield
      }) : () -> ()
      %dma_start3A = arith.constant 0 : i32
      %dma_start3A_5 = arith.constant 0 : i32
      %dma_start3A_6 = tpu.memref_slice %arg2[%dma_start3A, %dma_start3A_5] : memref<4096x1024xf32, #tpu.memory_space<hbm>> -> memref<4096x1024xf32, #tpu.memory_space<hbm>>
      tpu.enqueue_indirect_dma source(%dma_start3A_6 : memref<4096x1024xf32, #tpu.memory_space<hbm>>) target(%arg6 : memref<8x1024xf32, #tpu.memory_space<vmem>>) offsets(%arg5 : memref<8xi32, #tpu.memory_space<vmem>>) semaphore(%arg7 : memref<!tpu.dma_semaphore, #tpu.memory_space<semaphore_mem>>)
      %dma_wait3A = arith.constant 0 : i32
      %dma_wait3A_7 = arith.constant 0 : i32
      %dma_wait3A_8 = tpu.memref_slice %arg2[%dma_wait3A, %dma_wait3A_7] : memref<4096x1024xf32, #tpu.memory_space<hbm>> -> memref<4096x1024xf32, #tpu.memory_space<hbm>>
      tpu.wait_indirect_dma semaphore(%arg7 : memref<!tpu.dma_semaphore, #tpu.memory_space<semaphore_mem>>) src(%dma_wait3A_8 : memref<4096x1024xf32, #tpu.memory_space<hbm>>) dst(%arg6 : memref<8x1024xf32, #tpu.memory_space<vmem>>)
      "tpu.region"() ({
        %run_scoped3A = tpu.sem_alloc : memref<!tpu.dma_semaphore, #tpu.memory_space<semaphore_mem>>
        %dma_start3A_9 = arith.constant 0 : i32
        %dma_start3A_10 = tpu.memref_slice %arg4[%mul3A_4, %dma_start3A_9] : memref<96x1024xf32, #tpu.memory_space<hbm>> -> memref<8x1024xf32, #tpu.memory_space<hbm>>
        %dma_start3A_11 = arith.constant 0 : i32
        %dma_start3A_12 = tpu.memref_slice %arg4[%mul3A_4, %dma_start3A_11] : memref<96x1024xf32, #tpu.memory_space<hbm>> -> memref<8x1024xf32, #tpu.memory_space<hbm>>
        tpu.enqueue_dma source(%arg6 : memref<8x1024xf32, #tpu.memory_space<vmem>>) target(%dma_start3A_12 : memref<8x1024xf32, #tpu.memory_space<hbm>>) target_semaphore(%run_scoped3A : memref<!tpu.dma_semaphore, #tpu.memory_space<semaphore_mem>>)
        %dma_wait3A_13 = arith.constant 0 : i32
        %dma_wait3A_14 = tpu.memref_slice %arg4[%mul3A_4, %dma_wait3A_13] : memref<96x1024xf32, #tpu.memory_space<hbm>> -> memref<8x1024xf32, #tpu.memory_space<hbm>>
        %dma_wait3A_15 = arith.constant 0 : i32
        %dma_wait3A_16 = tpu.memref_slice %arg4[%mul3A_4, %dma_wait3A_15] : memref<96x1024xf32, #tpu.memory_space<hbm>> -> memref<8x1024xf32, #tpu.memory_space<hbm>>
        tpu.wait_dma2 semaphore(%run_scoped3A : memref<!tpu.dma_semaphore, #tpu.memory_space<semaphore_mem>>) src(%arg6 : memref<8x1024xf32, #tpu.memory_space<vmem>>) dst(%dma_wait3A_16 : memref<8x1024xf32, #tpu.memory_space<hbm>>)
        tpu.yield
      }) : () -> ()
    } else {
    }
    return
  }
}

module attributes {stable_mosaic.version = 14 : i64} {
  func.func @_select_kernel(%arg0: i32, %arg1: memref<2x2048x1024xf32, #tpu.memory_space<vmem>>, %arg2: memref<1x1024xf32, #tpu.memory_space<vmem>>, %arg3: memref<2x1x48xi32, #tpu.memory_space<vmem>>, %arg4: memref<2x48x1xf32, #tpu.memory_space<vmem>>, %arg5: memref<1x96xi32, #tpu.memory_space<vmem>>) attributes {dimension_semantics = [#tpu.dimension_semantics<arbitrary>], iteration_bounds = array<i64: 1>, scalar_prefetch = 0 : i64, scratch_operands = 0 : i64, tpu.core_type = #tpu.core_type<tc>, window_params = [{pipeline_mode = #tpu.pipeline_mode<synchronous>, transform_indices = @transform_0, window_bounds = array<i64: 2, 2048, 1024>}, {pipeline_mode = #tpu.pipeline_mode<synchronous>, transform_indices = @transform_1, window_bounds = array<i64: 1, 1024>}, {pipeline_mode = #tpu.pipeline_mode<synchronous>, transform_indices = @transform_2, window_bounds = array<i64: 2, 1, 48>}, {pipeline_mode = #tpu.pipeline_mode<synchronous>, transform_indices = @transform_3, window_bounds = array<i64: 2, 48, 1>}, {pipeline_mode = #tpu.pipeline_mode<synchronous>, transform_indices = @transform_4, window_bounds = array<i64: 1, 96>}]} {
    %get3A = arith.constant 0 : index
    %get3A_0 = arith.constant 0 : index
    %get3A_1 = arith.constant 0 : index
    %get3A_2 = vector.load %arg1[%get3A, %get3A_0, %get3A_1] : memref<2x2048x1024xf32, #tpu.memory_space<vmem>>, vector<1x2048x1024xf32>
    %get3A_3 = vector.shape_cast %get3A_2 : vector<1x2048x1024xf32> to vector<2048x1024xf32>
    %get3A_4 = arith.constant 0 : index
    %get3A_5 = arith.constant 0 : index
    %get3A_6 = vector.load %arg2[%get3A_4, %get3A_5] : memref<1x1024xf32, #tpu.memory_space<vmem>>, vector<1x1024xf32>
    %mul3A = vector.broadcast %get3A_6 : vector<1x1024xf32> to vector<2048x1024xf32>
    %mul3A_7 = arith.mulf %get3A_3, %mul3A : vector<2048x1024xf32>
    %reduce_sum3A = arith.constant dense<0.000000e+00> : vector<2048xf32>
    %reduce_sum3A_8 = vector.multi_reduction <add>, %mul3A_7, %reduce_sum3A [1] : vector<2048x1024xf32> to vector<2048xf32>
    %broadcast_in_dim3A = vector.shape_cast %reduce_sum3A_8 : vector<2048xf32> to vector<2048x1xf32>
    %transpose3A = tpu.transpose %broadcast_in_dim3A, [1, 0] : vector<2048x1xf32> -> vector<1x2048xf32>
    %reshape3A = vector.shape_cast %transpose3A : vector<1x2048xf32> to vector<1x1x2048xf32>
    %get3A_9 = arith.constant 1 : index
    %get3A_10 = arith.constant 0 : index
    %get3A_11 = arith.constant 0 : index
    %get3A_12 = vector.load %arg1[%get3A_9, %get3A_10, %get3A_11] : memref<2x2048x1024xf32, #tpu.memory_space<vmem>>, vector<1x2048x1024xf32>
    %get3A_13 = vector.shape_cast %get3A_12 : vector<1x2048x1024xf32> to vector<2048x1024xf32>
    %get3A_14 = arith.constant 0 : index
    %get3A_15 = arith.constant 0 : index
    %get3A_16 = vector.load %arg2[%get3A_14, %get3A_15] : memref<1x1024xf32, #tpu.memory_space<vmem>>, vector<1x1024xf32>
    %mul3A_17 = vector.broadcast %get3A_16 : vector<1x1024xf32> to vector<2048x1024xf32>
    %mul3A_18 = arith.mulf %get3A_13, %mul3A_17 : vector<2048x1024xf32>
    %reduce_sum3A_19 = arith.constant dense<0.000000e+00> : vector<2048xf32>
    %reduce_sum3A_20 = vector.multi_reduction <add>, %mul3A_18, %reduce_sum3A_19 [1] : vector<2048x1024xf32> to vector<2048xf32>
    %broadcast_in_dim3A_21 = vector.shape_cast %reduce_sum3A_20 : vector<2048xf32> to vector<2048x1xf32>
    %transpose3A_22 = tpu.transpose %broadcast_in_dim3A_21, [1, 0] : vector<2048x1xf32> -> vector<1x2048xf32>
    %reshape3A_23 = vector.shape_cast %transpose3A_22 : vector<1x2048xf32> to vector<1x1x2048xf32>
    %concatenate3A = tpu.concatenate %reshape3A, %reshape3A_23 in 0 : vector<1x1x2048xf32>, vector<1x1x2048xf32> -> vector<2x1x2048xf32>
    %iota3A = tpu.iota {dimensions = array<i32: 2>} : vector<2x1x2048xi32>
    %iota3A_24 = tpu.iota {dimensions = array<i32: 2>} : vector<2x1x48xi32>
    %broadcast_in_dim3A_25 = arith.constant 0 : i32
    %broadcast_in_dim3A_26 = vector.broadcast %broadcast_in_dim3A_25 : i32 to vector<2x1x48xi32>
    %scan3A = arith.constant 0 : i32
    %scan3A_27 = arith.constant 46 : i32
    %scan3A_28 = arith.addi %scan3A, %scan3A_27 : i32
    %scan3A_29 = arith.constant 1 : i32
    %scan3A_30:2 = scf.for %scan3A_69 = %scan3A to %scan3A_28 step %scan3A_29 iter_args(%scan3A_70 = %concatenate3A, %scan3A_71 = %broadcast_in_dim3A_26) -> (vector<2x1x2048xf32>, vector<2x1x48xi32>)  : i32 {
      %reduce_max3A = arith.constant dense<0xFF800000> : vector<2x1xf32>
      %reduce_max3A_72 = vector.multi_reduction <maximumf>, %scan3A_70, %reduce_max3A [2] : vector<2x1x2048xf32> to vector<2x1xf32>
      %broadcast_in_dim3A_73 = vector.shape_cast %reduce_max3A_72 : vector<2x1xf32> to vector<2x1x1xf32>
      %eq3A_74 = vector.broadcast %broadcast_in_dim3A_73 : vector<2x1x1xf32> to vector<2x1x2048xf32>
      %eq3A_75 = arith.cmpf oeq, %scan3A_70, %eq3A_74 : vector<2x1x2048xf32>
      %jit3A = arith.constant 2048 : i32
      %broadcast_in_dim3A_76 = vector.broadcast %jit3A : i32 to vector<2x1x2048xi32>
      %select_n3A = arith.select %eq3A_75, %iota3A, %broadcast_in_dim3A_76 : vector<2x1x2048xi1>, vector<2x1x2048xi32>
      %reduce_min3A = arith.constant dense<2147483647> : vector<2x1xi32>
      %reduce_min3A_77 = vector.multi_reduction <minsi>, %select_n3A, %reduce_min3A [2] : vector<2x1x2048xi32> to vector<2x1xi32>
      %broadcast_in_dim3A_78 = vector.shape_cast %reduce_min3A_77 : vector<2x1xi32> to vector<2x1x1xi32>
      %eq3A_79 = vector.broadcast %scan3A_69 : i32 to vector<2x1x48xi32>
      %eq3A_80 = arith.cmpi eq, %iota3A_24, %eq3A_79 : vector<2x1x48xi32>
      %broadcast_in_dim3A_81 = vector.shape_cast %broadcast_in_dim3A_78 : vector<2x1x1xi32> to vector<2x1x1xi32>
      %broadcast_in_dim3A_82 = vector.broadcast %broadcast_in_dim3A_81 : vector<2x1x1xi32> to vector<2x1x48xi32>
      %select_n3A_83 = arith.select %eq3A_80, %broadcast_in_dim3A_82, %scan3A_71 : vector<2x1x48xi1>, vector<2x1x48xi32>
      %eq3A_84 = vector.broadcast %broadcast_in_dim3A_78 : vector<2x1x1xi32> to vector<2x1x2048xi32>
      %eq3A_85 = arith.cmpi eq, %iota3A, %eq3A_84 : vector<2x1x2048xi32>
      %jit3A_86 = arith.constant -1.000000e+30 : f32
      %broadcast_in_dim3A_87 = vector.broadcast %jit3A_86 : f32 to vector<2x1x2048xf32>
      %select_n3A_88 = arith.select %eq3A_85, %broadcast_in_dim3A_87, %scan3A_70 : vector<2x1x2048xi1>, vector<2x1x2048xf32>
      scf.yield %select_n3A_88, %select_n3A_83 : vector<2x1x2048xf32>, vector<2x1x48xi32>
    }
    %scan3A_31 = arith.constant 46 : i32
    %swap3A = arith.constant 0 : index
    %swap3A_32 = arith.constant 0 : index
    %swap3A_33 = arith.constant 0 : index
    %swap3A_34 = vector.load %arg3[%swap3A, %swap3A_32, %swap3A_33] : memref<2x1x48xi32, #tpu.memory_space<vmem>>, vector<2x1x48xi32>
    tpu.vector_store %arg3[%swap3A, %swap3A_32, %swap3A_33], %scan3A_30#1 {strides = array<i32>} : memref<2x1x48xi32, #tpu.memory_space<vmem>>, vector<2x1x48xi32>,
    %iota3A_35 = tpu.iota {dimensions = array<i32: 0>} : vector<48x48xi32>
    %iota3A_36 = tpu.iota {dimensions = array<i32: 1>} : vector<48x48xi32>
    %eq3A = arith.cmpi eq, %iota3A_35, %iota3A_36 : vector<48x48xi32>
    %convert_element_type3A = arith.extui %eq3A : vector<48x48xi1> to vector<48x48xi32>
    %convert_element_type3A_37 = arith.sitofp %convert_element_type3A : vector<48x48xi32> to vector<48x48xf32>
    %convert_element_type3A_38 = arith.sitofp %scan3A_30#1 : vector<2x1x48xi32> to vector<2x1x48xf32>
    %slice3A = vector.extract_strided_slice %convert_element_type3A_38 {offsets = [0, 0, 0], sizes = [1, 1, 48], strides = [1, 1, 1]} : vector<2x1x48xf32> to vector<1x1x48xf32>
    %squeeze3A = vector.shape_cast %slice3A : vector<1x1x48xf32> to vector<1x48xf32>
    %dot_general3A = arith.constant dense<0.000000e+00> : vector<48x1xf32>
    %dot_general3A_39 = tpu.matmul %convert_element_type3A_37, %squeeze3A, %dot_general3A {dimension_numbers = #tpu.dot_dimension_numbers<[1], [1], [0], [0], [0, 0, 1, 0], [], []>, transpose_lhs_hint = false} : vector<48x48xf32>, vector<1x48xf32>, vector<48x1xf32> -> vector<48x1xf32>
    %swap3A_40 = arith.constant 0 : index
    %swap3A_41 = arith.constant 0 : index
    %swap3A_42 = arith.constant 0 : index
    %swap3A_43 = vector.load %arg4[%swap3A_40, %swap3A_41, %swap3A_42] : memref<2x48x1xf32, #tpu.memory_space<vmem>>, vector<1x48x1xf32>
    %swap3A_44 = vector.shape_cast %swap3A_43 : vector<1x48x1xf32> to vector<48x1xf32>
    %swap3A_45 = vector.shape_cast %dot_general3A_39 : vector<48x1xf32> to vector<1x48x1xf32>
    tpu.vector_store %arg4[%swap3A_40, %swap3A_41, %swap3A_42], %swap3A_45 {strides = array<i32>} : memref<2x48x1xf32, #tpu.memory_space<vmem>>, vector<1x48x1xf32>,
    %slice3A_46 = vector.extract_strided_slice %convert_element_type3A_38 {offsets = [1, 0, 0], sizes = [1, 1, 48], strides = [1, 1, 1]} : vector<2x1x48xf32> to vector<1x1x48xf32>
    %squeeze3A_47 = vector.shape_cast %slice3A_46 : vector<1x1x48xf32> to vector<1x48xf32>
    %dot_general3A_48 = arith.constant dense<0.000000e+00> : vector<48x1xf32>
    %dot_general3A_49 = tpu.matmul %convert_element_type3A_37, %squeeze3A_47, %dot_general3A_48 {dimension_numbers = #tpu.dot_dimension_numbers<[1], [1], [0], [0], [0, 0, 1, 0], [], []>, transpose_lhs_hint = false} : vector<48x48xf32>, vector<1x48xf32>, vector<48x1xf32> -> vector<48x1xf32>
    %swap3A_50 = arith.constant 1 : index
    %swap3A_51 = arith.constant 0 : index
    %swap3A_52 = arith.constant 0 : index
    %swap3A_53 = vector.load %arg4[%swap3A_50, %swap3A_51, %swap3A_52] : memref<2x48x1xf32, #tpu.memory_space<vmem>>, vector<1x48x1xf32>
    %swap3A_54 = vector.shape_cast %swap3A_53 : vector<1x48x1xf32> to vector<48x1xf32>
    %swap3A_55 = vector.shape_cast %dot_general3A_49 : vector<48x1xf32> to vector<1x48x1xf32>
    tpu.vector_store %arg4[%swap3A_50, %swap3A_51, %swap3A_52], %swap3A_55 {strides = array<i32>} : memref<2x48x1xf32, #tpu.memory_space<vmem>>, vector<1x48x1xf32>,
    %slice3A_56 = vector.extract_strided_slice %scan3A_30#1 {offsets = [0, 0, 0], sizes = [1, 1, 48], strides = [1, 1, 1]} : vector<2x1x48xi32> to vector<1x1x48xi32>
    %squeeze3A_57 = vector.shape_cast %slice3A_56 : vector<1x1x48xi32> to vector<1x48xi32>
    %add3A = arith.constant 0 : i32
    %add3A_58 = vector.broadcast %add3A : i32 to vector<1x48xi32>
    %add3A_59 = arith.addi %squeeze3A_57, %add3A_58 : vector<1x48xi32>
    %slice3A_60 = vector.extract_strided_slice %scan3A_30#1 {offsets = [1, 0, 0], sizes = [1, 1, 48], strides = [1, 1, 1]} : vector<2x1x48xi32> to vector<1x1x48xi32>
    %squeeze3A_61 = vector.shape_cast %slice3A_60 : vector<1x1x48xi32> to vector<1x48xi32>
    %add3A_62 = arith.constant 2048 : i32
    %add3A_63 = vector.broadcast %add3A_62 : i32 to vector<1x48xi32>
    %add3A_64 = arith.addi %squeeze3A_61, %add3A_63 : vector<1x48xi32>
    %concatenate3A_65 = tpu.concatenate %add3A_59, %add3A_64 in 1 : vector<1x48xi32>, vector<1x48xi32> -> vector<1x96xi32>
    %swap3A_66 = arith.constant 0 : index
    %swap3A_67 = arith.constant 0 : index
    %swap3A_68 = vector.load %arg5[%swap3A_66, %swap3A_67] : memref<1x96xi32, #tpu.memory_space<vmem>>, vector<1x96xi32>
    tpu.vector_store %arg5[%swap3A_66, %swap3A_67], %concatenate3A_65 {strides = array<i32>} : memref<1x96xi32, #tpu.memory_space<vmem>>, vector<1x96xi32>,
    return
  }
  func.func @transform_0(%arg0: i32) -> (i32, i32, i32) {
    %c0_i32 = arith.constant 0 : i32
    %c0_i32_0 = arith.constant 0 : i32
    %c0_i32_1 = arith.constant 0 : i32
    %c0_i32_2 = arith.constant 0 : i32
    return %c0_i32, %c0_i32_0, %c0_i32_1 : i32, i32, i32
  }
  func.func @transform_1(%arg0: i32) -> (i32, i32) {
    %c0_i32 = arith.constant 0 : i32
    %c0_i32_0 = arith.constant 0 : i32
    %c0_i32_1 = arith.constant 0 : i32
    return %c0_i32, %c0_i32_0 : i32, i32
  }
  func.func @transform_2(%arg0: i32) -> (i32, i32, i32) {
    %c0_i32 = arith.constant 0 : i32
    %c0_i32_0 = arith.constant 0 : i32
    %c0_i32_1 = arith.constant 0 : i32
    %c0_i32_2 = arith.constant 0 : i32
    return %c0_i32, %c0_i32_0, %c0_i32_1 : i32, i32, i32
  }
  func.func @transform_3(%arg0: i32) -> (i32, i32, i32) {
    %c0_i32 = arith.constant 0 : i32
    %c0_i32_0 = arith.constant 0 : i32
    %c0_i32_1 = arith.constant 0 : i32
    %c0_i32_2 = arith.constant 0 : i32
    return %c0_i32, %c0_i32_0, %c0_i32_1 : i32, i32, i32
  }
  func.func @transform_4(%arg0: i32) -> (i32, i32) {
    %c0_i32 = arith.constant 0 : i32
    %c0_i32_0 = arith.constant 0 : i32
    %c0_i32_1 = arith.constant 0 : i32
    return %c0_i32, %c0_i32_0 : i32, i32
  }
}

module attributes {stable_mosaic.version = 14 : i64} {
  func.func @_fused_attn_kernel(%arg0: i32, %arg1: i32, %arg2: memref<1x512x1024xf32, #tpu.memory_space<vmem>>, %arg3: memref<8x128x1024xbf16, #tpu.memory_space<vmem>>, %arg4: memref<8x1x128xf32, #tpu.memory_space<vmem>>, %arg5: memref<2048x1024xbf16, #tpu.memory_space<vmem>>, %arg6: memref<1x2048xf32, #tpu.memory_space<vmem>>, %arg7: memref<1024x1024xbf16, #tpu.memory_space<vmem>>, %arg8: memref<1x1024xf32, #tpu.memory_space<vmem>>, %arg9: memref<1x1024xf32, #tpu.memory_space<vmem>>, %arg10: memref<1x48x1024xf32, #tpu.memory_space<vmem>>, %arg11: memref<1x48x1xf32, #tpu.memory_space<vmem>>, %arg12: memref<1x48x1024xf32, #tpu.memory_space<vmem>>, %arg13: memref<8x48x128xf32, #tpu.memory_space<vmem>>, %arg14: memref<16x2048x128xbf16, #tpu.memory_space<vmem>>) attributes {dimension_semantics = [#tpu.dimension_semantics<arbitrary>, #tpu.dimension_semantics<arbitrary>], iteration_bounds = array<i64: 2, 4>, scalar_prefetch = 0 : i64, scratch_operands = 2 : i64, tpu.core_type = #tpu.core_type<tc>, window_params = [{transform_indices = @transform_0, window_bounds = array<i64: 1, 512, 1024>}, {pipeline_mode = #tpu.pipeline_mode<synchronous>, transform_indices = @transform_1, window_bounds = array<i64: 8, 128, 1024>}, {pipeline_mode = #tpu.pipeline_mode<synchronous>, transform_indices = @transform_2, window_bounds = array<i64: 8, 1, 128>}, {pipeline_mode = #tpu.pipeline_mode<synchronous>, transform_indices = @transform_3, window_bounds = array<i64: 2048, 1024>}, {pipeline_mode = #tpu.pipeline_mode<synchronous>, transform_indices = @transform_4, window_bounds = array<i64: 1, 2048>}, {pipeline_mode = #tpu.pipeline_mode<synchronous>, transform_indices = @transform_5, window_bounds = array<i64: 1024, 1024>}, {pipeline_mode = #tpu.pipeline_mode<synchronous>, transform_indices = @transform_6, window_bounds = array<i64: 1, 1024>}, {pipeline_mode = #tpu.pipeline_mode<synchronous>, transform_indices = @transform_7, window_bounds = array<i64: 1, 1024>}, {transform_indices = @transform_8, window_bounds = array<i64: 1, 48, 1024>}, {transform_indices = @transform_9, window_bounds = array<i64: 1, 48, 1>}, {transform_indices = @transform_10, window_bounds = array<i64: 1, 48, 1024>}]} {
    %eq3A = arith.constant 0 : i32
    %eq3A_0 = arith.cmpi eq, %arg1, %eq3A : i32
    %convert_element_type3A = arith.extui %eq3A_0 : i1 to i32
    %cond3A = arith.constant 0 : i32
    %cond3A_1 = arith.cmpi ne, %convert_element_type3A, %cond3A : i32
    scf.if %cond3A_1 {
      %get3A_162 = arith.constant 0 : index
      %get3A_163 = arith.constant 0 : index
      %get3A_164 = arith.constant 0 : index
      %get3A_165 = vector.load %arg10[%get3A_162, %get3A_163, %get3A_164] : memref<1x48x1024xf32, #tpu.memory_space<vmem>>, vector<1x48x1024xf32>
      %get3A_166 = vector.shape_cast %get3A_165 : vector<1x48x1024xf32> to vector<48x1024xf32>
      %convert_element_type3A_167 = arith.truncf %get3A_166 : vector<48x1024xf32> to vector<48x1024xbf16>
      %get3A_168 = arith.constant 0 : index
      %get3A_169 = arith.constant 0 : index
      %get3A_170 = arith.constant 0 : index
      %get3A_171 = vector.load %arg3[%get3A_168, %get3A_169, %get3A_170] : memref<8x128x1024xbf16, #tpu.memory_space<vmem>>, vector<1x128x1024xbf16>
      %get3A_172 = vector.shape_cast %get3A_171 : vector<1x128x1024xbf16> to vector<128x1024xbf16>
      %dot_general3A_173 = arith.constant dense<0.000000e+00> : vector<48x128xf32>
      %dot_general3A_174 = tpu.matmul %convert_element_type3A_167, %get3A_172, %dot_general3A_173 {dimension_numbers = #tpu.dot_dimension_numbers<[1], [1], [0], [0], [0, 0, 1, 0], [], []>, transpose_lhs_hint = false} : vector<48x1024xbf16>, vector<128x1024xbf16>, vector<48x128xf32> -> vector<48x128xf32>
      %get3A_175 = arith.constant 0 : index
      %get3A_176 = arith.constant 0 : index
      %get3A_177 = arith.constant 0 : index
      %get3A_178 = vector.load %arg4[%get3A_175, %get3A_176, %get3A_177] : memref<8x1x128xf32, #tpu.memory_space<vmem>>, vector<1x1x128xf32>
      %get3A_179 = vector.shape_cast %get3A_178 : vector<1x1x128xf32> to vector<1x128xf32>
      %add3A_180 = vector.broadcast %get3A_179 : vector<1x128xf32> to vector<48x128xf32>
      %add3A_181 = arith.addf %dot_general3A_174, %add3A_180 : vector<48x128xf32>
      %swap3A_182 = arith.constant 0 : index
      %swap3A_183 = arith.constant 0 : index
      %swap3A_184 = arith.constant 0 : index
      %swap3A_185 = vector.load %arg13[%swap3A_182, %swap3A_183, %swap3A_184] : memref<8x48x128xf32, #tpu.memory_space<vmem>>, vector<1x48x128xf32>
      %swap3A_186 = vector.shape_cast %swap3A_185 : vector<1x48x128xf32> to vector<48x128xf32>
      %swap3A_187 = vector.shape_cast %add3A_181 : vector<48x128xf32> to vector<1x48x128xf32>
      tpu.vector_store %arg13[%swap3A_182, %swap3A_183, %swap3A_184], %swap3A_187 {strides = array<i32>} : memref<8x48x128xf32, #tpu.memory_space<vmem>>, vector<1x48x128xf32>,
      %get3A_188 = arith.constant 1 : index
      %get3A_189 = arith.constant 0 : index
      %get3A_190 = arith.constant 0 : index
      %get3A_191 = vector.load %arg3[%get3A_188, %get3A_189, %get3A_190] : memref<8x128x1024xbf16, #tpu.memory_space<vmem>>, vector<1x128x1024xbf16>
      %get3A_192 = vector.shape_cast %get3A_191 : vector<1x128x1024xbf16> to vector<128x1024xbf16>
      %dot_general3A_193 = arith.constant dense<0.000000e+00> : vector<48x128xf32>
      %dot_general3A_194 = tpu.matmul %convert_element_type3A_167, %get3A_192, %dot_general3A_193 {dimension_numbers = #tpu.dot_dimension_numbers<[1], [1], [0], [0], [0, 0, 1, 0], [], []>, transpose_lhs_hint = false} : vector<48x1024xbf16>, vector<128x1024xbf16>, vector<48x128xf32> -> vector<48x128xf32>
      %get3A_195 = arith.constant 1 : index
      %get3A_196 = arith.constant 0 : index
      %get3A_197 = arith.constant 0 : index
      %get3A_198 = vector.load %arg4[%get3A_195, %get3A_196, %get3A_197] : memref<8x1x128xf32, #tpu.memory_space<vmem>>, vector<1x1x128xf32>
      %get3A_199 = vector.shape_cast %get3A_198 : vector<1x1x128xf32> to vector<1x128xf32>
      %add3A_200 = vector.broadcast %get3A_199 : vector<1x128xf32> to vector<48x128xf32>
      %add3A_201 = arith.addf %dot_general3A_194, %add3A_200 : vector<48x128xf32>
      %swap3A_202 = arith.constant 1 : index
      %swap3A_203 = arith.constant 0 : index
      %swap3A_204 = arith.constant 0 : index
      %swap3A_205 = vector.load %arg13[%swap3A_202, %swap3A_203, %swap3A_204] : memref<8x48x128xf32, #tpu.memory_space<vmem>>, vector<1x48x128xf32>
      %swap3A_206 = vector.shape_cast %swap3A_205 : vector<1x48x128xf32> to vector<48x128xf32>
      %swap3A_207 = vector.shape_cast %add3A_201 : vector<48x128xf32> to vector<1x48x128xf32>
      tpu.vector_store %arg13[%swap3A_202, %swap3A_203, %swap3A_204], %swap3A_207 {strides = array<i32>} : memref<8x48x128xf32, #tpu.memory_space<vmem>>, vector<1x48x128xf32>,
      %get3A_208 = arith.constant 2 : index
      %get3A_209 = arith.constant 0 : index
      %get3A_210 = arith.constant 0 : index
      %get3A_211 = vector.load %arg3[%get3A_208, %get3A_209, %get3A_210] : memref<8x128x1024xbf16, #tpu.memory_space<vmem>>, vector<1x128x1024xbf16>
      %get3A_212 = vector.shape_cast %get3A_211 : vector<1x128x1024xbf16> to vector<128x1024xbf16>
      %dot_general3A_213 = arith.constant dense<0.000000e+00> : vector<48x128xf32>
      %dot_general3A_214 = tpu.matmul %convert_element_type3A_167, %get3A_212, %dot_general3A_213 {dimension_numbers = #tpu.dot_dimension_numbers<[1], [1], [0], [0], [0, 0, 1, 0], [], []>, transpose_lhs_hint = false} : vector<48x1024xbf16>, vector<128x1024xbf16>, vector<48x128xf32> -> vector<48x128xf32>
      %get3A_215 = arith.constant 2 : index
      %get3A_216 = arith.constant 0 : index
      %get3A_217 = arith.constant 0 : index
      %get3A_218 = vector.load %arg4[%get3A_215, %get3A_216, %get3A_217] : memref<8x1x128xf32, #tpu.memory_space<vmem>>, vector<1x1x128xf32>
      %get3A_219 = vector.shape_cast %get3A_218 : vector<1x1x128xf32> to vector<1x128xf32>
      %add3A_220 = vector.broadcast %get3A_219 : vector<1x128xf32> to vector<48x128xf32>
      %add3A_221 = arith.addf %dot_general3A_214, %add3A_220 : vector<48x128xf32>
      %swap3A_222 = arith.constant 2 : index
      %swap3A_223 = arith.constant 0 : index
      %swap3A_224 = arith.constant 0 : index
      %swap3A_225 = vector.load %arg13[%swap3A_222, %swap3A_223, %swap3A_224] : memref<8x48x128xf32, #tpu.memory_space<vmem>>, vector<1x48x128xf32>
      %swap3A_226 = vector.shape_cast %swap3A_225 : vector<1x48x128xf32> to vector<48x128xf32>
      %swap3A_227 = vector.shape_cast %add3A_221 : vector<48x128xf32> to vector<1x48x128xf32>
      tpu.vector_store %arg13[%swap3A_222, %swap3A_223, %swap3A_224], %swap3A_227 {strides = array<i32>} : memref<8x48x128xf32, #tpu.memory_space<vmem>>, vector<1x48x128xf32>,
      %get3A_228 = arith.constant 3 : index
      %get3A_229 = arith.constant 0 : index
      %get3A_230 = arith.constant 0 : index
      %get3A_231 = vector.load %arg3[%get3A_228, %get3A_229, %get3A_230] : memref<8x128x1024xbf16, #tpu.memory_space<vmem>>, vector<1x128x1024xbf16>
      %get3A_232 = vector.shape_cast %get3A_231 : vector<1x128x1024xbf16> to vector<128x1024xbf16>
      %dot_general3A_233 = arith.constant dense<0.000000e+00> : vector<48x128xf32>
      %dot_general3A_234 = tpu.matmul %convert_element_type3A_167, %get3A_232, %dot_general3A_233 {dimension_numbers = #tpu.dot_dimension_numbers<[1], [1], [0], [0], [0, 0, 1, 0], [], []>, transpose_lhs_hint = false} : vector<48x1024xbf16>, vector<128x1024xbf16>, vector<48x128xf32> -> vector<48x128xf32>
      %get3A_235 = arith.constant 3 : index
      %get3A_236 = arith.constant 0 : index
      %get3A_237 = arith.constant 0 : index
      %get3A_238 = vector.load %arg4[%get3A_235, %get3A_236, %get3A_237] : memref<8x1x128xf32, #tpu.memory_space<vmem>>, vector<1x1x128xf32>
      %get3A_239 = vector.shape_cast %get3A_238 : vector<1x1x128xf32> to vector<1x128xf32>
      %add3A_240 = vector.broadcast %get3A_239 : vector<1x128xf32> to vector<48x128xf32>
      %add3A_241 = arith.addf %dot_general3A_234, %add3A_240 : vector<48x128xf32>
      %swap3A_242 = arith.constant 3 : index
      %swap3A_243 = arith.constant 0 : index
      %swap3A_244 = arith.constant 0 : index
      %swap3A_245 = vector.load %arg13[%swap3A_242, %swap3A_243, %swap3A_244] : memref<8x48x128xf32, #tpu.memory_space<vmem>>, vector<1x48x128xf32>
      %swap3A_246 = vector.shape_cast %swap3A_245 : vector<1x48x128xf32> to vector<48x128xf32>
      %swap3A_247 = vector.shape_cast %add3A_241 : vector<48x128xf32> to vector<1x48x128xf32>
      tpu.vector_store %arg13[%swap3A_242, %swap3A_243, %swap3A_244], %swap3A_247 {strides = array<i32>} : memref<8x48x128xf32, #tpu.memory_space<vmem>>, vector<1x48x128xf32>,
      %get3A_248 = arith.constant 4 : index
      %get3A_249 = arith.constant 0 : index
      %get3A_250 = arith.constant 0 : index
      %get3A_251 = vector.load %arg3[%get3A_248, %get3A_249, %get3A_250] : memref<8x128x1024xbf16, #tpu.memory_space<vmem>>, vector<1x128x1024xbf16>
      %get3A_252 = vector.shape_cast %get3A_251 : vector<1x128x1024xbf16> to vector<128x1024xbf16>
      %dot_general3A_253 = arith.constant dense<0.000000e+00> : vector<48x128xf32>
      %dot_general3A_254 = tpu.matmul %convert_element_type3A_167, %get3A_252, %dot_general3A_253 {dimension_numbers = #tpu.dot_dimension_numbers<[1], [1], [0], [0], [0, 0, 1, 0], [], []>, transpose_lhs_hint = false} : vector<48x1024xbf16>, vector<128x1024xbf16>, vector<48x128xf32> -> vector<48x128xf32>
      %get3A_255 = arith.constant 4 : index
      %get3A_256 = arith.constant 0 : index
      %get3A_257 = arith.constant 0 : index
      %get3A_258 = vector.load %arg4[%get3A_255, %get3A_256, %get3A_257] : memref<8x1x128xf32, #tpu.memory_space<vmem>>, vector<1x1x128xf32>
      %get3A_259 = vector.shape_cast %get3A_258 : vector<1x1x128xf32> to vector<1x128xf32>
      %add3A_260 = vector.broadcast %get3A_259 : vector<1x128xf32> to vector<48x128xf32>
      %add3A_261 = arith.addf %dot_general3A_254, %add3A_260 : vector<48x128xf32>
      %swap3A_262 = arith.constant 4 : index
      %swap3A_263 = arith.constant 0 : index
      %swap3A_264 = arith.constant 0 : index
      %swap3A_265 = vector.load %arg13[%swap3A_262, %swap3A_263, %swap3A_264] : memref<8x48x128xf32, #tpu.memory_space<vmem>>, vector<1x48x128xf32>
      %swap3A_266 = vector.shape_cast %swap3A_265 : vector<1x48x128xf32> to vector<48x128xf32>
      %swap3A_267 = vector.shape_cast %add3A_261 : vector<48x128xf32> to vector<1x48x128xf32>
      tpu.vector_store %arg13[%swap3A_262, %swap3A_263, %swap3A_264], %swap3A_267 {strides = array<i32>} : memref<8x48x128xf32, #tpu.memory_space<vmem>>, vector<1x48x128xf32>,
      %get3A_268 = arith.constant 5 : index
      %get3A_269 = arith.constant 0 : index
      %get3A_270 = arith.constant 0 : index
      %get3A_271 = vector.load %arg3[%get3A_268, %get3A_269, %get3A_270] : memref<8x128x1024xbf16, #tpu.memory_space<vmem>>, vector<1x128x1024xbf16>
      %get3A_272 = vector.shape_cast %get3A_271 : vector<1x128x1024xbf16> to vector<128x1024xbf16>
      %dot_general3A_273 = arith.constant dense<0.000000e+00> : vector<48x128xf32>
      %dot_general3A_274 = tpu.matmul %convert_element_type3A_167, %get3A_272, %dot_general3A_273 {dimension_numbers = #tpu.dot_dimension_numbers<[1], [1], [0], [0], [0, 0, 1, 0], [], []>, transpose_lhs_hint = false} : vector<48x1024xbf16>, vector<128x1024xbf16>, vector<48x128xf32> -> vector<48x128xf32>
      %get3A_275 = arith.constant 5 : index
      %get3A_276 = arith.constant 0 : index
      %get3A_277 = arith.constant 0 : index
      %get3A_278 = vector.load %arg4[%get3A_275, %get3A_276, %get3A_277] : memref<8x1x128xf32, #tpu.memory_space<vmem>>, vector<1x1x128xf32>
      %get3A_279 = vector.shape_cast %get3A_278 : vector<1x1x128xf32> to vector<1x128xf32>
      %add3A_280 = vector.broadcast %get3A_279 : vector<1x128xf32> to vector<48x128xf32>
      %add3A_281 = arith.addf %dot_general3A_274, %add3A_280 : vector<48x128xf32>
      %swap3A_282 = arith.constant 5 : index
      %swap3A_283 = arith.constant 0 : index
      %swap3A_284 = arith.constant 0 : index
      %swap3A_285 = vector.load %arg13[%swap3A_282, %swap3A_283, %swap3A_284] : memref<8x48x128xf32, #tpu.memory_space<vmem>>, vector<1x48x128xf32>
      %swap3A_286 = vector.shape_cast %swap3A_285 : vector<1x48x128xf32> to vector<48x128xf32>
      %swap3A_287 = vector.shape_cast %add3A_281 : vector<48x128xf32> to vector<1x48x128xf32>
      tpu.vector_store %arg13[%swap3A_282, %swap3A_283, %swap3A_284], %swap3A_287 {strides = array<i32>} : memref<8x48x128xf32, #tpu.memory_space<vmem>>, vector<1x48x128xf32>,
      %get3A_288 = arith.constant 6 : index
      %get3A_289 = arith.constant 0 : index
      %get3A_290 = arith.constant 0 : index
      %get3A_291 = vector.load %arg3[%get3A_288, %get3A_289, %get3A_290] : memref<8x128x1024xbf16, #tpu.memory_space<vmem>>, vector<1x128x1024xbf16>
      %get3A_292 = vector.shape_cast %get3A_291 : vector<1x128x1024xbf16> to vector<128x1024xbf16>
      %dot_general3A_293 = arith.constant dense<0.000000e+00> : vector<48x128xf32>
      %dot_general3A_294 = tpu.matmul %convert_element_type3A_167, %get3A_292, %dot_general3A_293 {dimension_numbers = #tpu.dot_dimension_numbers<[1], [1], [0], [0], [0, 0, 1, 0], [], []>, transpose_lhs_hint = false} : vector<48x1024xbf16>, vector<128x1024xbf16>, vector<48x128xf32> -> vector<48x128xf32>
      %get3A_295 = arith.constant 6 : index
      %get3A_296 = arith.constant 0 : index
      %get3A_297 = arith.constant 0 : index
      %get3A_298 = vector.load %arg4[%get3A_295, %get3A_296, %get3A_297] : memref<8x1x128xf32, #tpu.memory_space<vmem>>, vector<1x1x128xf32>
      %get3A_299 = vector.shape_cast %get3A_298 : vector<1x1x128xf32> to vector<1x128xf32>
      %add3A_300 = vector.broadcast %get3A_299 : vector<1x128xf32> to vector<48x128xf32>
      %add3A_301 = arith.addf %dot_general3A_294, %add3A_300 : vector<48x128xf32>
      %swap3A_302 = arith.constant 6 : index
      %swap3A_303 = arith.constant 0 : index
      %swap3A_304 = arith.constant 0 : index
      %swap3A_305 = vector.load %arg13[%swap3A_302, %swap3A_303, %swap3A_304] : memref<8x48x128xf32, #tpu.memory_space<vmem>>, vector<1x48x128xf32>
      %swap3A_306 = vector.shape_cast %swap3A_305 : vector<1x48x128xf32> to vector<48x128xf32>
      %swap3A_307 = vector.shape_cast %add3A_301 : vector<48x128xf32> to vector<1x48x128xf32>
      tpu.vector_store %arg13[%swap3A_302, %swap3A_303, %swap3A_304], %swap3A_307 {strides = array<i32>} : memref<8x48x128xf32, #tpu.memory_space<vmem>>, vector<1x48x128xf32>,
      %get3A_308 = arith.constant 7 : index
      %get3A_309 = arith.constant 0 : index
      %get3A_310 = arith.constant 0 : index
      %get3A_311 = vector.load %arg3[%get3A_308, %get3A_309, %get3A_310] : memref<8x128x1024xbf16, #tpu.memory_space<vmem>>, vector<1x128x1024xbf16>
      %get3A_312 = vector.shape_cast %get3A_311 : vector<1x128x1024xbf16> to vector<128x1024xbf16>
      %dot_general3A_313 = arith.constant dense<0.000000e+00> : vector<48x128xf32>
      %dot_general3A_314 = tpu.matmul %convert_element_type3A_167, %get3A_312, %dot_general3A_313 {dimension_numbers = #tpu.dot_dimension_numbers<[1], [1], [0], [0], [0, 0, 1, 0], [], []>, transpose_lhs_hint = false} : vector<48x1024xbf16>, vector<128x1024xbf16>, vector<48x128xf32> -> vector<48x128xf32>
      %get3A_315 = arith.constant 7 : index
      %get3A_316 = arith.constant 0 : index
      %get3A_317 = arith.constant 0 : index
      %get3A_318 = vector.load %arg4[%get3A_315, %get3A_316, %get3A_317] : memref<8x1x128xf32, #tpu.memory_space<vmem>>, vector<1x1x128xf32>
      %get3A_319 = vector.shape_cast %get3A_318 : vector<1x1x128xf32> to vector<1x128xf32>
      %add3A_320 = vector.broadcast %get3A_319 : vector<1x128xf32> to vector<48x128xf32>
      %add3A_321 = arith.addf %dot_general3A_314, %add3A_320 : vector<48x128xf32>
      %swap3A_322 = arith.constant 7 : index
      %swap3A_323 = arith.constant 0 : index
      %swap3A_324 = arith.constant 0 : index
      %swap3A_325 = vector.load %arg13[%swap3A_322, %swap3A_323, %swap3A_324] : memref<8x48x128xf32, #tpu.memory_space<vmem>>, vector<1x48x128xf32>
      %swap3A_326 = vector.shape_cast %swap3A_325 : vector<1x48x128xf32> to vector<48x128xf32>
      %swap3A_327 = vector.shape_cast %add3A_321 : vector<48x128xf32> to vector<1x48x128xf32>
      tpu.vector_store %arg13[%swap3A_322, %swap3A_323, %swap3A_324], %swap3A_327 {strides = array<i32>} : memref<8x48x128xf32, #tpu.memory_space<vmem>>, vector<1x48x128xf32>,
    } else {
    }
    %get3A = arith.constant 0 : index
    %get3A_2 = arith.constant 0 : index
    %get3A_3 = arith.constant 0 : index
    %get3A_4 = vector.load %arg2[%get3A, %get3A_2, %get3A_3] : memref<1x512x1024xf32, #tpu.memory_space<vmem>>, vector<1x512x1024xf32>
    %get3A_5 = vector.shape_cast %get3A_4 : vector<1x512x1024xf32> to vector<512x1024xf32>
    %convert_element_type3A_6 = arith.truncf %get3A_5 : vector<512x1024xf32> to vector<512x1024xbf16>
    %get3A_7 = arith.constant 0 : index
    %get3A_8 = arith.constant 0 : index
    %get3A_9 = vector.load %arg5[%get3A_7, %get3A_8] : memref<2048x1024xbf16, #tpu.memory_space<vmem>>, vector<2048x1024xbf16>
    %dot_general3A = arith.constant dense<0.000000e+00> : vector<512x2048xf32>
    %dot_general3A_10 = tpu.matmul %convert_element_type3A_6, %get3A_9, %dot_general3A {dimension_numbers = #tpu.dot_dimension_numbers<[1], [1], [0], [0], [0, 0, 1, 0], [], []>, transpose_lhs_hint = false} : vector<512x1024xbf16>, vector<2048x1024xbf16>, vector<512x2048xf32> -> vector<512x2048xf32>
    %get3A_11 = arith.constant 0 : index
    %get3A_12 = arith.constant 0 : index
    %get3A_13 = vector.load %arg6[%get3A_11, %get3A_12] : memref<1x2048xf32, #tpu.memory_space<vmem>>, vector<1x2048xf32>
    %add3A = vector.broadcast %get3A_13 : vector<1x2048xf32> to vector<512x2048xf32>
    %add3A_14 = arith.addf %dot_general3A_10, %add3A : vector<512x2048xf32>
    %convert_element_type3A_15 = arith.truncf %add3A_14 : vector<512x2048xf32> to vector<512x2048xbf16>
    %slice3A = vector.extract_strided_slice %convert_element_type3A_15 {offsets = [0, 0], sizes = [512, 128], strides = [1, 1]} : vector<512x2048xbf16> to vector<512x128xbf16>
    %mul3A = arith.constant 512 : i32
    %mul3A_16 = arith.muli %arg1, %mul3A : i32
    %swap3A = arith.constant 0 : index
    %swap3A_17 = arith.index_cast %mul3A_16 : i32 to index
    %swap3A_18 = arith.constant 0 : index
    %swap3A_19 = vector.load %arg14[%swap3A, %swap3A_17, %swap3A_18] : memref<16x2048x128xbf16, #tpu.memory_space<vmem>>, vector<1x512x128xbf16>
    %swap3A_20 = vector.shape_cast %swap3A_19 : vector<1x512x128xbf16> to vector<512x128xbf16>
    %swap3A_21 = vector.shape_cast %slice3A : vector<512x128xbf16> to vector<1x512x128xbf16>
    tpu.vector_store %arg14[%swap3A, %swap3A_17, %swap3A_18], %swap3A_21 {strides = array<i32>} : memref<16x2048x128xbf16, #tpu.memory_space<vmem>>, vector<1x512x128xbf16>,
    %slice3A_22 = vector.extract_strided_slice %convert_element_type3A_15 {offsets = [0, 128], sizes = [512, 128], strides = [1, 1]} : vector<512x2048xbf16> to vector<512x128xbf16>
    %mul3A_23 = arith.constant 512 : i32
    %mul3A_24 = arith.muli %arg1, %mul3A_23 : i32
    %swap3A_25 = arith.constant 1 : index
    %swap3A_26 = arith.index_cast %mul3A_24 : i32 to index
    %swap3A_27 = arith.constant 0 : index
    %swap3A_28 = vector.load %arg14[%swap3A_25, %swap3A_26, %swap3A_27] : memref<16x2048x128xbf16, #tpu.memory_space<vmem>>, vector<1x512x128xbf16>
    %swap3A_29 = vector.shape_cast %swap3A_28 : vector<1x512x128xbf16> to vector<512x128xbf16>
    %swap3A_30 = vector.shape_cast %slice3A_22 : vector<512x128xbf16> to vector<1x512x128xbf16>
    tpu.vector_store %arg14[%swap3A_25, %swap3A_26, %swap3A_27], %swap3A_30 {strides = array<i32>} : memref<16x2048x128xbf16, #tpu.memory_space<vmem>>, vector<1x512x128xbf16>,
    %slice3A_31 = vector.extract_strided_slice %convert_element_type3A_15 {offsets = [0, 256], sizes = [512, 128], strides = [1, 1]} : vector<512x2048xbf16> to vector<512x128xbf16>
    %mul3A_32 = arith.constant 512 : i32
    %mul3A_33 = arith.muli %arg1, %mul3A_32 : i32
    %swap3A_34 = arith.constant 2 : index
    %swap3A_35 = arith.index_cast %mul3A_33 : i32 to index
    %swap3A_36 = arith.constant 0 : index
    %swap3A_37 = vector.load %arg14[%swap3A_34, %swap3A_35, %swap3A_36] : memref<16x2048x128xbf16, #tpu.memory_space<vmem>>, vector<1x512x128xbf16>
    %swap3A_38 = vector.shape_cast %swap3A_37 : vector<1x512x128xbf16> to vector<512x128xbf16>
    %swap3A_39 = vector.shape_cast %slice3A_31 : vector<512x128xbf16> to vector<1x512x128xbf16>
    tpu.vector_store %arg14[%swap3A_34, %swap3A_35, %swap3A_36], %swap3A_39 {strides = array<i32>} : memref<16x2048x128xbf16, #tpu.memory_space<vmem>>, vector<1x512x128xbf16>,
    %slice3A_40 = vector.extract_strided_slice %convert_element_type3A_15 {offsets = [0, 384], sizes = [512, 128], strides = [1, 1]} : vector<512x2048xbf16> to vector<512x128xbf16>
    %mul3A_41 = arith.constant 512 : i32
    %mul3A_42 = arith.muli %arg1, %mul3A_41 : i32
    %swap3A_43 = arith.constant 3 : index
    %swap3A_44 = arith.index_cast %mul3A_42 : i32 to index
    %swap3A_45 = arith.constant 0 : index
    %swap3A_46 = vector.load %arg14[%swap3A_43, %swap3A_44, %swap3A_45] : memref<16x2048x128xbf16, #tpu.memory_space<vmem>>, vector<1x512x128xbf16>
    %swap3A_47 = vector.shape_cast %swap3A_46 : vector<1x512x128xbf16> to vector<512x128xbf16>
    %swap3A_48 = vector.shape_cast %slice3A_40 : vector<512x128xbf16> to vector<1x512x128xbf16>
    tpu.vector_store %arg14[%swap3A_43, %swap3A_44, %swap3A_45], %swap3A_48 {strides = array<i32>} : memref<16x2048x128xbf16, #tpu.memory_space<vmem>>, vector<1x512x128xbf16>,
    %slice3A_49 = vector.extract_strided_slice %convert_element_type3A_15 {offsets = [0, 512], sizes = [512, 128], strides = [1, 1]} : vector<512x2048xbf16> to vector<512x128xbf16>
    %mul3A_50 = arith.constant 512 : i32
    %mul3A_51 = arith.muli %arg1, %mul3A_50 : i32
    %swap3A_52 = arith.constant 4 : index
    %swap3A_53 = arith.index_cast %mul3A_51 : i32 to index
    %swap3A_54 = arith.constant 0 : index
    %swap3A_55 = vector.load %arg14[%swap3A_52, %swap3A_53, %swap3A_54] : memref<16x2048x128xbf16, #tpu.memory_space<vmem>>, vector<1x512x128xbf16>
    %swap3A_56 = vector.shape_cast %swap3A_55 : vector<1x512x128xbf16> to vector<512x128xbf16>
    %swap3A_57 = vector.shape_cast %slice3A_49 : vector<512x128xbf16> to vector<1x512x128xbf16>
    tpu.vector_store %arg14[%swap3A_52, %swap3A_53, %swap3A_54], %swap3A_57 {strides = array<i32>} : memref<16x2048x128xbf16, #tpu.memory_space<vmem>>, vector<1x512x128xbf16>,
    %slice3A_58 = vector.extract_strided_slice %convert_element_type3A_15 {offsets = [0, 640], sizes = [512, 128], strides = [1, 1]} : vector<512x2048xbf16> to vector<512x128xbf16>
    %mul3A_59 = arith.constant 512 : i32
    %mul3A_60 = arith.muli %arg1, %mul3A_59 : i32
    %swap3A_61 = arith.constant 5 : index
    %swap3A_62 = arith.index_cast %mul3A_60 : i32 to index
    %swap3A_63 = arith.constant 0 : index
    %swap3A_64 = vector.load %arg14[%swap3A_61, %swap3A_62, %swap3A_63] : memref<16x2048x128xbf16, #tpu.memory_space<vmem>>, vector<1x512x128xbf16>
    %swap3A_65 = vector.shape_cast %swap3A_64 : vector<1x512x128xbf16> to vector<512x128xbf16>
    %swap3A_66 = vector.shape_cast %slice3A_58 : vector<512x128xbf16> to vector<1x512x128xbf16>
    tpu.vector_store %arg14[%swap3A_61, %swap3A_62, %swap3A_63], %swap3A_66 {strides = array<i32>} : memref<16x2048x128xbf16, #tpu.memory_space<vmem>>, vector<1x512x128xbf16>,
    %slice3A_67 = vector.extract_strided_slice %convert_element_type3A_15 {offsets = [0, 768], sizes = [512, 128], strides = [1, 1]} : vector<512x2048xbf16> to vector<512x128xbf16>
    %mul3A_68 = arith.constant 512 : i32
    %mul3A_69 = arith.muli %arg1, %mul3A_68 : i32
    %swap3A_70 = arith.constant 6 : index
    %swap3A_71 = arith.index_cast %mul3A_69 : i32 to index
    %swap3A_72 = arith.constant 0 : index
    %swap3A_73 = vector.load %arg14[%swap3A_70, %swap3A_71, %swap3A_72] : memref<16x2048x128xbf16, #tpu.memory_space<vmem>>, vector<1x512x128xbf16>
    %swap3A_74 = vector.shape_cast %swap3A_73 : vector<1x512x128xbf16> to vector<512x128xbf16>
    %swap3A_75 = vector.shape_cast %slice3A_67 : vector<512x128xbf16> to vector<1x512x128xbf16>
    tpu.vector_store %arg14[%swap3A_70, %swap3A_71, %swap3A_72], %swap3A_75 {strides = array<i32>} : memref<16x2048x128xbf16, #tpu.memory_space<vmem>>, vector<1x512x128xbf16>,
    %slice3A_76 = vector.extract_strided_slice %convert_element_type3A_15 {offsets = [0, 896], sizes = [512, 128], strides = [1, 1]} : vector<512x2048xbf16> to vector<512x128xbf16>
    %mul3A_77 = arith.constant 512 : i32
    %mul3A_78 = arith.muli %arg1, %mul3A_77 : i32
    %swap3A_79 = arith.constant 7 : index
    %swap3A_80 = arith.index_cast %mul3A_78 : i32 to index
    %swap3A_81 = arith.constant 0 : index
    %swap3A_82 = vector.load %arg14[%swap3A_79, %swap3A_80, %swap3A_81] : memref<16x2048x128xbf16, #tpu.memory_space<vmem>>, vector<1x512x128xbf16>
    %swap3A_83 = vector.shape_cast %swap3A_82 : vector<1x512x128xbf16> to vector<512x128xbf16>
    %swap3A_84 = vector.shape_cast %slice3A_76 : vector<512x128xbf16> to vector<1x512x128xbf16>
    tpu.vector_store %arg14[%swap3A_79, %swap3A_80, %swap3A_81], %swap3A_84 {strides = array<i32>} : memref<16x2048x128xbf16, #tpu.memory_space<vmem>>, vector<1x512x128xbf16>,
    %slice3A_85 = vector.extract_strided_slice %convert_element_type3A_15 {offsets = [0, 1024], sizes = [512, 128], strides = [1, 1]} : vector<512x2048xbf16> to vector<512x128xbf16>
    %mul3A_86 = arith.constant 512 : i32
    %mul3A_87 = arith.muli %arg1, %mul3A_86 : i32
    %swap3A_88 = arith.constant 8 : index
    %swap3A_89 = arith.index_cast %mul3A_87 : i32 to index
    %swap3A_90 = arith.constant 0 : index
    %swap3A_91 = vector.load %arg14[%swap3A_88, %swap3A_89, %swap3A_90] : memref<16x2048x128xbf16, #tpu.memory_space<vmem>>, vector<1x512x128xbf16>
    %swap3A_92 = vector.shape_cast %swap3A_91 : vector<1x512x128xbf16> to vector<512x128xbf16>
    %swap3A_93 = vector.shape_cast %slice3A_85 : vector<512x128xbf16> to vector<1x512x128xbf16>
    tpu.vector_store %arg14[%swap3A_88, %swap3A_89, %swap3A_90], %swap3A_93 {strides = array<i32>} : memref<16x2048x128xbf16, #tpu.memory_space<vmem>>, vector<1x512x128xbf16>,
    %slice3A_94 = vector.extract_strided_slice %convert_element_type3A_15 {offsets = [0, 1152], sizes = [512, 128], strides = [1, 1]} : vector<512x2048xbf16> to vector<512x128xbf16>
    %mul3A_95 = arith.constant 512 : i32
    %mul3A_96 = arith.muli %arg1, %mul3A_95 : i32
    %swap3A_97 = arith.constant 9 : index
    %swap3A_98 = arith.index_cast %mul3A_96 : i32 to index
    %swap3A_99 = arith.constant 0 : index
    %swap3A_100 = vector.load %arg14[%swap3A_97, %swap3A_98, %swap3A_99] : memref<16x2048x128xbf16, #tpu.memory_space<vmem>>, vector<1x512x128xbf16>
    %swap3A_101 = vector.shape_cast %swap3A_100 : vector<1x512x128xbf16> to vector<512x128xbf16>
    %swap3A_102 = vector.shape_cast %slice3A_94 : vector<512x128xbf16> to vector<1x512x128xbf16>
    tpu.vector_store %arg14[%swap3A_97, %swap3A_98, %swap3A_99], %swap3A_102 {strides = array<i32>} : memref<16x2048x128xbf16, #tpu.memory_space<vmem>>, vector<1x512x128xbf16>,
    %slice3A_103 = vector.extract_strided_slice %convert_element_type3A_15 {offsets = [0, 1280], sizes = [512, 128], strides = [1, 1]} : vector<512x2048xbf16> to vector<512x128xbf16>
    %mul3A_104 = arith.constant 512 : i32
    %mul3A_105 = arith.muli %arg1, %mul3A_104 : i32
    %swap3A_106 = arith.constant 10 : index
    %swap3A_107 = arith.index_cast %mul3A_105 : i32 to index
    %swap3A_108 = arith.constant 0 : index
    %swap3A_109 = vector.load %arg14[%swap3A_106, %swap3A_107, %swap3A_108] : memref<16x2048x128xbf16, #tpu.memory_space<vmem>>, vector<1x512x128xbf16>
    %swap3A_110 = vector.shape_cast %swap3A_109 : vector<1x512x128xbf16> to vector<512x128xbf16>
    %swap3A_111 = vector.shape_cast %slice3A_103 : vector<512x128xbf16> to vector<1x512x128xbf16>
    tpu.vector_store %arg14[%swap3A_106, %swap3A_107, %swap3A_108], %swap3A_111 {strides = array<i32>} : memref<16x2048x128xbf16, #tpu.memory_space<vmem>>, vector<1x512x128xbf16>,
    %slice3A_112 = vector.extract_strided_slice %convert_element_type3A_15 {offsets = [0, 1408], sizes = [512, 128], strides = [1, 1]} : vector<512x2048xbf16> to vector<512x128xbf16>
    %mul3A_113 = arith.constant 512 : i32
    %mul3A_114 = arith.muli %arg1, %mul3A_113 : i32
    %swap3A_115 = arith.constant 11 : index
    %swap3A_116 = arith.index_cast %mul3A_114 : i32 to index
    %swap3A_117 = arith.constant 0 : index
    %swap3A_118 = vector.load %arg14[%swap3A_115, %swap3A_116, %swap3A_117] : memref<16x2048x128xbf16, #tpu.memory_space<vmem>>, vector<1x512x128xbf16>
    %swap3A_119 = vector.shape_cast %swap3A_118 : vector<1x512x128xbf16> to vector<512x128xbf16>
    %swap3A_120 = vector.shape_cast %slice3A_112 : vector<512x128xbf16> to vector<1x512x128xbf16>
    tpu.vector_store %arg14[%swap3A_115, %swap3A_116, %swap3A_117], %swap3A_120 {strides = array<i32>} : memref<16x2048x128xbf16, #tpu.memory_space<vmem>>, vector<1x512x128xbf16>,
    %slice3A_121 = vector.extract_strided_slice %convert_element_type3A_15 {offsets = [0, 1536], sizes = [512, 128], strides = [1, 1]} : vector<512x2048xbf16> to vector<512x128xbf16>
    %mul3A_122 = arith.constant 512 : i32
    %mul3A_123 = arith.muli %arg1, %mul3A_122 : i32
    %swap3A_124 = arith.constant 12 : index
    %swap3A_125 = arith.index_cast %mul3A_123 : i32 to index
    %swap3A_126 = arith.constant 0 : index
    %swap3A_127 = vector.load %arg14[%swap3A_124, %swap3A_125, %swap3A_126] : memref<16x2048x128xbf16, #tpu.memory_space<vmem>>, vector<1x512x128xbf16>
    %swap3A_128 = vector.shape_cast %swap3A_127 : vector<1x512x128xbf16> to vector<512x128xbf16>
    %swap3A_129 = vector.shape_cast %slice3A_121 : vector<512x128xbf16> to vector<1x512x128xbf16>
    tpu.vector_store %arg14[%swap3A_124, %swap3A_125, %swap3A_126], %swap3A_129 {strides = array<i32>} : memref<16x2048x128xbf16, #tpu.memory_space<vmem>>, vector<1x512x128xbf16>,
    %slice3A_130 = vector.extract_strided_slice %convert_element_type3A_15 {offsets = [0, 1664], sizes = [512, 128], strides = [1, 1]} : vector<512x2048xbf16> to vector<512x128xbf16>
    %mul3A_131 = arith.constant 512 : i32
    %mul3A_132 = arith.muli %arg1, %mul3A_131 : i32
    %swap3A_133 = arith.constant 13 : index
    %swap3A_134 = arith.index_cast %mul3A_132 : i32 to index
    %swap3A_135 = arith.constant 0 : index
    %swap3A_136 = vector.load %arg14[%swap3A_133, %swap3A_134, %swap3A_135] : memref<16x2048x128xbf16, #tpu.memory_space<vmem>>, vector<1x512x128xbf16>
    %swap3A_137 = vector.shape_cast %swap3A_136 : vector<1x512x128xbf16> to vector<512x128xbf16>
    %swap3A_138 = vector.shape_cast %slice3A_130 : vector<512x128xbf16> to vector<1x512x128xbf16>
    tpu.vector_store %arg14[%swap3A_133, %swap3A_134, %swap3A_135], %swap3A_138 {strides = array<i32>} : memref<16x2048x128xbf16, #tpu.memory_space<vmem>>, vector<1x512x128xbf16>,
    %slice3A_139 = vector.extract_strided_slice %convert_element_type3A_15 {offsets = [0, 1792], sizes = [512, 128], strides = [1, 1]} : vector<512x2048xbf16> to vector<512x128xbf16>
    %mul3A_140 = arith.constant 512 : i32
    %mul3A_141 = arith.muli %arg1, %mul3A_140 : i32
    %swap3A_142 = arith.constant 14 : index
    %swap3A_143 = arith.index_cast %mul3A_141 : i32 to index
    %swap3A_144 = arith.constant 0 : index
    %swap3A_145 = vector.load %arg14[%swap3A_142, %swap3A_143, %swap3A_144] : memref<16x2048x128xbf16, #tpu.memory_space<vmem>>, vector<1x512x128xbf16>
    %swap3A_146 = vector.shape_cast %swap3A_145 : vector<1x512x128xbf16> to vector<512x128xbf16>
    %swap3A_147 = vector.shape_cast %slice3A_139 : vector<512x128xbf16> to vector<1x512x128xbf16>
    tpu.vector_store %arg14[%swap3A_142, %swap3A_143, %swap3A_144], %swap3A_147 {strides = array<i32>} : memref<16x2048x128xbf16, #tpu.memory_space<vmem>>, vector<1x512x128xbf16>,
    %slice3A_148 = vector.extract_strided_slice %convert_element_type3A_15 {offsets = [0, 1920], sizes = [512, 128], strides = [1, 1]} : vector<512x2048xbf16> to vector<512x128xbf16>
    %mul3A_149 = arith.constant 512 : i32
    %mul3A_150 = arith.muli %arg1, %mul3A_149 : i32
    %swap3A_151 = arith.constant 15 : index
    %swap3A_152 = arith.index_cast %mul3A_150 : i32 to index
    %swap3A_153 = arith.constant 0 : index
    %swap3A_154 = vector.load %arg14[%swap3A_151, %swap3A_152, %swap3A_153] : memref<16x2048x128xbf16, #tpu.memory_space<vmem>>, vector<1x512x128xbf16>
    %swap3A_155 = vector.shape_cast %swap3A_154 : vector<1x512x128xbf16> to vector<512x128xbf16>
    %swap3A_156 = vector.shape_cast %slice3A_148 : vector<512x128xbf16> to vector<1x512x128xbf16>
    tpu.vector_store %arg14[%swap3A_151, %swap3A_152, %swap3A_153], %swap3A_156 {strides = array<i32>} : memref<16x2048x128xbf16, #tpu.memory_space<vmem>>, vector<1x512x128xbf16>,
    %eq3A_157 = arith.constant 3 : i32
    %eq3A_158 = arith.cmpi eq, %arg1, %eq3A_157 : i32
    %convert_element_type3A_159 = arith.extui %eq3A_158 : i1 to i32
    %cond3A_160 = arith.constant 0 : i32
    %cond3A_161 = arith.cmpi ne, %convert_element_type3A_159, %cond3A_160 : i32
    scf.if %cond3A_161 {
      %get3A_162 = arith.constant 0 : index
      %get3A_163 = arith.constant 0 : index
      %get3A_164 = arith.constant 0 : index
      %get3A_165 = vector.load %arg11[%get3A_162, %get3A_163, %get3A_164] : memref<1x48x1xf32, #tpu.memory_space<vmem>>, vector<1x48x1xf32>
      %get3A_166 = vector.shape_cast %get3A_165 : vector<1x48x1xf32> to vector<48x1xf32>
      %iota3A = tpu.iota {dimensions = array<i32: 1>} : vector<48x2048xi32>
      %convert_element_type3A_167 = arith.sitofp %iota3A : vector<48x2048xi32> to vector<48x2048xf32>
      %le3A = vector.broadcast %get3A_166 : vector<48x1xf32> to vector<48x2048xf32>
      %le3A_168 = arith.cmpf ole, %convert_element_type3A_167, %le3A : vector<48x2048xf32>
      %jit3A = arith.constant 0.000000e+00 : f32
      %jit3A_169 = arith.constant -14426.9502 : f32
      %broadcast_in_dim3A = vector.broadcast %jit3A : f32 to vector<48x2048xf32>
      %broadcast_in_dim3A_170 = vector.broadcast %jit3A_169 : f32 to vector<48x2048xf32>
      %select_n3A = arith.select %le3A_168, %broadcast_in_dim3A, %broadcast_in_dim3A_170 : vector<48x2048xi1>, vector<48x2048xf32>
      %iota3A_171 = tpu.iota {dimensions = array<i32: 1>} : vector<1x128xi32>
      %lt3A = arith.constant 64 : i32
      %lt3A_172 = vector.broadcast %lt3A : i32 to vector<1x128xi32>
      %lt3A_173 = arith.cmpi slt, %iota3A_171, %lt3A_172 : vector<1x128xi32>
      %convert_element_type3A_174 = arith.extui %lt3A_173 : vector<1x128xi1> to vector<1x128xi32>
      %convert_element_type3A_175 = arith.sitofp %convert_element_type3A_174 : vector<1x128xi32> to vector<1x128xf32>
      %sub3A = arith.constant 1.000000e+00 : f32
      %sub3A_176 = vector.broadcast %sub3A : f32 to vector<1x128xf32>
      %sub3A_177 = arith.subf %sub3A_176, %convert_element_type3A_175 : vector<1x128xf32>
      %mul3A_178 = arith.constant 0.180336878 : f32
      %mul3A_179 = vector.broadcast %mul3A_178 : f32 to vector<1x128xf32>
      %mul3A_180 = arith.mulf %convert_element_type3A_175, %mul3A_179 : vector<1x128xf32>
      %mul3A_181 = arith.constant 0.180336878 : f32
      %mul3A_182 = vector.broadcast %mul3A_181 : f32 to vector<1x128xf32>
      %mul3A_183 = arith.mulf %sub3A_177, %mul3A_182 : vector<1x128xf32>
      %convert_element_type3A_184 = arith.truncf %convert_element_type3A_175 : vector<1x128xf32> to vector<1x128xbf16>
      %convert_element_type3A_185 = arith.truncf %sub3A_177 : vector<1x128xf32> to vector<1x128xbf16>
      %get3A_186 = arith.constant 0 : index
      %get3A_187 = arith.constant 0 : index
      %get3A_188 = arith.constant 0 : index
      %get3A_189 = vector.load %arg14[%get3A_186, %get3A_187, %get3A_188] : memref<16x2048x128xbf16, #tpu.memory_space<vmem>>, vector<1x2048x128xbf16>
      %get3A_190 = vector.shape_cast %get3A_189 : vector<1x2048x128xbf16> to vector<2048x128xbf16>
      %get3A_191 = arith.constant 8 : index
      %get3A_192 = arith.constant 0 : index
      %get3A_193 = arith.constant 0 : index
      %get3A_194 = vector.load %arg14[%get3A_191, %get3A_192, %get3A_193] : memref<16x2048x128xbf16, #tpu.memory_space<vmem>>, vector<1x2048x128xbf16>
      %get3A_195 = vector.shape_cast %get3A_194 : vector<1x2048x128xbf16> to vector<2048x128xbf16>
      %get3A_196 = arith.constant 0 : index
      %get3A_197 = arith.constant 0 : index
      %get3A_198 = arith.constant 0 : index
      %get3A_199 = vector.load %arg13[%get3A_196, %get3A_197, %get3A_198] : memref<8x48x128xf32, #tpu.memory_space<vmem>>, vector<1x48x128xf32>
      %get3A_200 = vector.shape_cast %get3A_199 : vector<1x48x128xf32> to vector<48x128xf32>
      %broadcast_in_dim3A_201 = arith.constant 0.000000e+00 : f32
      %broadcast_in_dim3A_202 = vector.broadcast %broadcast_in_dim3A_201 : f32 to vector<48x128xf32>
      %mul3A_203 = vector.broadcast %mul3A_180 : vector<1x128xf32> to vector<48x128xf32>
      %mul3A_204 = arith.mulf %get3A_200, %mul3A_203 : vector<48x128xf32>
      %convert_element_type3A_205 = arith.truncf %mul3A_204 : vector<48x128xf32> to vector<48x128xbf16>
      %dot_general3A_206 = arith.constant dense<0.000000e+00> : vector<48x2048xf32>
      %dot_general3A_207 = tpu.matmul %convert_element_type3A_205, %get3A_190, %dot_general3A_206 {dimension_numbers = #tpu.dot_dimension_numbers<[1], [1], [0], [0], [0, 0, 1, 0], [], []>, transpose_lhs_hint = false} : vector<48x128xbf16>, vector<2048x128xbf16>, vector<48x2048xf32> -> vector<48x2048xf32>
      %add3A_208 = arith.addf %dot_general3A_207, %select_n3A : vector<48x2048xf32>
      %reduce_max3A = arith.constant dense<0xFF800000> : vector<48xf32>
      %reduce_max3A_209 = vector.multi_reduction <maximumf>, %add3A_208, %reduce_max3A [1] : vector<48x2048xf32> to vector<48xf32>
      %broadcast_in_dim3A_210 = vector.shape_cast %reduce_max3A_209 : vector<48xf32> to vector<48x1xf32>
      %sub3A_211 = vector.broadcast %broadcast_in_dim3A_210 : vector<48x1xf32> to vector<48x2048xf32>
      %sub3A_212 = arith.subf %add3A_208, %sub3A_211 : vector<48x2048xf32>
      %exp23A = math.exp2 %sub3A_212 : vector<48x2048xf32>
      %reduce_sum3A = arith.constant dense<0.000000e+00> : vector<48xf32>
      %reduce_sum3A_213 = vector.multi_reduction <add>, %exp23A, %reduce_sum3A [1] : vector<48x2048xf32> to vector<48xf32>
      %broadcast_in_dim3A_214 = vector.shape_cast %reduce_sum3A_213 : vector<48xf32> to vector<48x1xf32>
      %convert_element_type3A_215 = arith.truncf %exp23A : vector<48x2048xf32> to vector<48x2048xbf16>
      %mul3A_216 = vector.broadcast %convert_element_type3A_184 : vector<1x128xbf16> to vector<2048x128xbf16>
      %mul3A_217 = arith.mulf %get3A_195, %mul3A_216 : vector<2048x128xbf16>
      %dot_general3A_218 = arith.constant dense<0.000000e+00> : vector<48x128xf32>
      %dot_general3A_219 = tpu.matmul %convert_element_type3A_215, %mul3A_217, %dot_general3A_218 {dimension_numbers = #tpu.dot_dimension_numbers<[1], [0], [0], [1], [0, 0, 1, 1], [], []>, transpose_lhs_hint = false} : vector<48x2048xbf16>, vector<2048x128xbf16>, vector<48x128xf32> -> vector<48x128xf32>
      %add3A_220 = arith.addf %broadcast_in_dim3A_202, %dot_general3A_219 : vector<48x128xf32>
      %mul3A_221 = vector.broadcast %mul3A_183 : vector<1x128xf32> to vector<48x128xf32>
      %mul3A_222 = arith.mulf %get3A_200, %mul3A_221 : vector<48x128xf32>
      %convert_element_type3A_223 = arith.truncf %mul3A_222 : vector<48x128xf32> to vector<48x128xbf16>
      %dot_general3A_224 = arith.constant dense<0.000000e+00> : vector<48x2048xf32>
      %dot_general3A_225 = tpu.matmul %convert_element_type3A_223, %get3A_190, %dot_general3A_224 {dimension_numbers = #tpu.dot_dimension_numbers<[1], [1], [0], [0], [0, 0, 1, 0], [], []>, transpose_lhs_hint = false} : vector<48x128xbf16>, vector<2048x128xbf16>, vector<48x2048xf32> -> vector<48x2048xf32>
      %add3A_226 = arith.addf %dot_general3A_225, %select_n3A : vector<48x2048xf32>
      %reduce_max3A_227 = arith.constant dense<0xFF800000> : vector<48xf32>
      %reduce_max3A_228 = vector.multi_reduction <maximumf>, %add3A_226, %reduce_max3A_227 [1] : vector<48x2048xf32> to vector<48xf32>
      %broadcast_in_dim3A_229 = vector.shape_cast %reduce_max3A_228 : vector<48xf32> to vector<48x1xf32>
      %sub3A_230 = vector.broadcast %broadcast_in_dim3A_229 : vector<48x1xf32> to vector<48x2048xf32>
      %sub3A_231 = arith.subf %add3A_226, %sub3A_230 : vector<48x2048xf32>
      %exp23A_232 = math.exp2 %sub3A_231 : vector<48x2048xf32>
      %reduce_sum3A_233 = arith.constant dense<0.000000e+00> : vector<48xf32>
      %reduce_sum3A_234 = vector.multi_reduction <add>, %exp23A_232, %reduce_sum3A_233 [1] : vector<48x2048xf32> to vector<48xf32>
      %broadcast_in_dim3A_235 = vector.shape_cast %reduce_sum3A_234 : vector<48xf32> to vector<48x1xf32>
      %convert_element_type3A_236 = arith.truncf %exp23A_232 : vector<48x2048xf32> to vector<48x2048xbf16>
      %mul3A_237 = vector.broadcast %convert_element_type3A_185 : vector<1x128xbf16> to vector<2048x128xbf16>
      %mul3A_238 = arith.mulf %get3A_195, %mul3A_237 : vector<2048x128xbf16>
      %dot_general3A_239 = arith.constant dense<0.000000e+00> : vector<48x128xf32>
      %dot_general3A_240 = tpu.matmul %convert_element_type3A_236, %mul3A_238, %dot_general3A_239 {dimension_numbers = #tpu.dot_dimension_numbers<[1], [0], [0], [1], [0, 0, 1, 1], [], []>, transpose_lhs_hint = false} : vector<48x2048xbf16>, vector<2048x128xbf16>, vector<48x128xf32> -> vector<48x128xf32>
      %add3A_241 = arith.addf %add3A_220, %dot_general3A_240 : vector<48x128xf32>
      %mul3A_242 = vector.broadcast %broadcast_in_dim3A_214 : vector<48x1xf32> to vector<48x128xf32>
      %mul3A_243 = vector.broadcast %convert_element_type3A_175 : vector<1x128xf32> to vector<48x128xf32>
      %mul3A_244 = arith.mulf %mul3A_242, %mul3A_243 : vector<48x128xf32>
      %mul3A_245 = vector.broadcast %broadcast_in_dim3A_235 : vector<48x1xf32> to vector<48x128xf32>
      %mul3A_246 = vector.broadcast %sub3A_177 : vector<1x128xf32> to vector<48x128xf32>
      %mul3A_247 = arith.mulf %mul3A_245, %mul3A_246 : vector<48x128xf32>
      %add3A_248 = arith.addf %mul3A_244, %mul3A_247 : vector<48x128xf32>
      %div3A = arith.divf %add3A_241, %add3A_248 : vector<48x128xf32>
      %get3A_249 = arith.constant 1 : index
      %get3A_250 = arith.constant 0 : index
      %get3A_251 = arith.constant 0 : index
      %get3A_252 = vector.load %arg14[%get3A_249, %get3A_250, %get3A_251] : memref<16x2048x128xbf16, #tpu.memory_space<vmem>>, vector<1x2048x128xbf16>
      %get3A_253 = vector.shape_cast %get3A_252 : vector<1x2048x128xbf16> to vector<2048x128xbf16>
      %get3A_254 = arith.constant 9 : index
      %get3A_255 = arith.constant 0 : index
      %get3A_256 = arith.constant 0 : index
      %get3A_257 = vector.load %arg14[%get3A_254, %get3A_255, %get3A_256] : memref<16x2048x128xbf16, #tpu.memory_space<vmem>>, vector<1x2048x128xbf16>
      %get3A_258 = vector.shape_cast %get3A_257 : vector<1x2048x128xbf16> to vector<2048x128xbf16>
      %get3A_259 = arith.constant 1 : index
      %get3A_260 = arith.constant 0 : index
      %get3A_261 = arith.constant 0 : index
      %get3A_262 = vector.load %arg13[%get3A_259, %get3A_260, %get3A_261] : memref<8x48x128xf32, #tpu.memory_space<vmem>>, vector<1x48x128xf32>
      %get3A_263 = vector.shape_cast %get3A_262 : vector<1x48x128xf32> to vector<48x128xf32>
      %broadcast_in_dim3A_264 = arith.constant 0.000000e+00 : f32
      %broadcast_in_dim3A_265 = vector.broadcast %broadcast_in_dim3A_264 : f32 to vector<48x128xf32>
      %mul3A_266 = vector.broadcast %mul3A_180 : vector<1x128xf32> to vector<48x128xf32>
      %mul3A_267 = arith.mulf %get3A_263, %mul3A_266 : vector<48x128xf32>
      %convert_element_type3A_268 = arith.truncf %mul3A_267 : vector<48x128xf32> to vector<48x128xbf16>
      %dot_general3A_269 = arith.constant dense<0.000000e+00> : vector<48x2048xf32>
      %dot_general3A_270 = tpu.matmul %convert_element_type3A_268, %get3A_253, %dot_general3A_269 {dimension_numbers = #tpu.dot_dimension_numbers<[1], [1], [0], [0], [0, 0, 1, 0], [], []>, transpose_lhs_hint = false} : vector<48x128xbf16>, vector<2048x128xbf16>, vector<48x2048xf32> -> vector<48x2048xf32>
      %add3A_271 = arith.addf %dot_general3A_270, %select_n3A : vector<48x2048xf32>
      %reduce_max3A_272 = arith.constant dense<0xFF800000> : vector<48xf32>
      %reduce_max3A_273 = vector.multi_reduction <maximumf>, %add3A_271, %reduce_max3A_272 [1] : vector<48x2048xf32> to vector<48xf32>
      %broadcast_in_dim3A_274 = vector.shape_cast %reduce_max3A_273 : vector<48xf32> to vector<48x1xf32>
      %sub3A_275 = vector.broadcast %broadcast_in_dim3A_274 : vector<48x1xf32> to vector<48x2048xf32>
      %sub3A_276 = arith.subf %add3A_271, %sub3A_275 : vector<48x2048xf32>
      %exp23A_277 = math.exp2 %sub3A_276 : vector<48x2048xf32>
      %reduce_sum3A_278 = arith.constant dense<0.000000e+00> : vector<48xf32>
      %reduce_sum3A_279 = vector.multi_reduction <add>, %exp23A_277, %reduce_sum3A_278 [1] : vector<48x2048xf32> to vector<48xf32>
      %broadcast_in_dim3A_280 = vector.shape_cast %reduce_sum3A_279 : vector<48xf32> to vector<48x1xf32>
      %convert_element_type3A_281 = arith.truncf %exp23A_277 : vector<48x2048xf32> to vector<48x2048xbf16>
      %mul3A_282 = vector.broadcast %convert_element_type3A_184 : vector<1x128xbf16> to vector<2048x128xbf16>
      %mul3A_283 = arith.mulf %get3A_258, %mul3A_282 : vector<2048x128xbf16>
      %dot_general3A_284 = arith.constant dense<0.000000e+00> : vector<48x128xf32>
      %dot_general3A_285 = tpu.matmul %convert_element_type3A_281, %mul3A_283, %dot_general3A_284 {dimension_numbers = #tpu.dot_dimension_numbers<[1], [0], [0], [1], [0, 0, 1, 1], [], []>, transpose_lhs_hint = false} : vector<48x2048xbf16>, vector<2048x128xbf16>, vector<48x128xf32> -> vector<48x128xf32>
      %add3A_286 = arith.addf %broadcast_in_dim3A_265, %dot_general3A_285 : vector<48x128xf32>
      %mul3A_287 = vector.broadcast %mul3A_183 : vector<1x128xf32> to vector<48x128xf32>
      %mul3A_288 = arith.mulf %get3A_263, %mul3A_287 : vector<48x128xf32>
      %convert_element_type3A_289 = arith.truncf %mul3A_288 : vector<48x128xf32> to vector<48x128xbf16>
      %dot_general3A_290 = arith.constant dense<0.000000e+00> : vector<48x2048xf32>
      %dot_general3A_291 = tpu.matmul %convert_element_type3A_289, %get3A_253, %dot_general3A_290 {dimension_numbers = #tpu.dot_dimension_numbers<[1], [1], [0], [0], [0, 0, 1, 0], [], []>, transpose_lhs_hint = false} : vector<48x128xbf16>, vector<2048x128xbf16>, vector<48x2048xf32> -> vector<48x2048xf32>
      %add3A_292 = arith.addf %dot_general3A_291, %select_n3A : vector<48x2048xf32>
      %reduce_max3A_293 = arith.constant dense<0xFF800000> : vector<48xf32>
      %reduce_max3A_294 = vector.multi_reduction <maximumf>, %add3A_292, %reduce_max3A_293 [1] : vector<48x2048xf32> to vector<48xf32>
      %broadcast_in_dim3A_295 = vector.shape_cast %reduce_max3A_294 : vector<48xf32> to vector<48x1xf32>
      %sub3A_296 = vector.broadcast %broadcast_in_dim3A_295 : vector<48x1xf32> to vector<48x2048xf32>
      %sub3A_297 = arith.subf %add3A_292, %sub3A_296 : vector<48x2048xf32>
      %exp23A_298 = math.exp2 %sub3A_297 : vector<48x2048xf32>
      %reduce_sum3A_299 = arith.constant dense<0.000000e+00> : vector<48xf32>
      %reduce_sum3A_300 = vector.multi_reduction <add>, %exp23A_298, %reduce_sum3A_299 [1] : vector<48x2048xf32> to vector<48xf32>
      %broadcast_in_dim3A_301 = vector.shape_cast %reduce_sum3A_300 : vector<48xf32> to vector<48x1xf32>
      %convert_element_type3A_302 = arith.truncf %exp23A_298 : vector<48x2048xf32> to vector<48x2048xbf16>
      %mul3A_303 = vector.broadcast %convert_element_type3A_185 : vector<1x128xbf16> to vector<2048x128xbf16>
      %mul3A_304 = arith.mulf %get3A_258, %mul3A_303 : vector<2048x128xbf16>
      %dot_general3A_305 = arith.constant dense<0.000000e+00> : vector<48x128xf32>
      %dot_general3A_306 = tpu.matmul %convert_element_type3A_302, %mul3A_304, %dot_general3A_305 {dimension_numbers = #tpu.dot_dimension_numbers<[1], [0], [0], [1], [0, 0, 1, 1], [], []>, transpose_lhs_hint = false} : vector<48x2048xbf16>, vector<2048x128xbf16>, vector<48x128xf32> -> vector<48x128xf32>
      %add3A_307 = arith.addf %add3A_286, %dot_general3A_306 : vector<48x128xf32>
      %mul3A_308 = vector.broadcast %broadcast_in_dim3A_280 : vector<48x1xf32> to vector<48x128xf32>
      %mul3A_309 = vector.broadcast %convert_element_type3A_175 : vector<1x128xf32> to vector<48x128xf32>
      %mul3A_310 = arith.mulf %mul3A_308, %mul3A_309 : vector<48x128xf32>
      %mul3A_311 = vector.broadcast %broadcast_in_dim3A_301 : vector<48x1xf32> to vector<48x128xf32>
      %mul3A_312 = vector.broadcast %sub3A_177 : vector<1x128xf32> to vector<48x128xf32>
      %mul3A_313 = arith.mulf %mul3A_311, %mul3A_312 : vector<48x128xf32>
      %add3A_314 = arith.addf %mul3A_310, %mul3A_313 : vector<48x128xf32>
      %div3A_315 = arith.divf %add3A_307, %add3A_314 : vector<48x128xf32>
      %get3A_316 = arith.constant 2 : index
      %get3A_317 = arith.constant 0 : index
      %get3A_318 = arith.constant 0 : index
      %get3A_319 = vector.load %arg14[%get3A_316, %get3A_317, %get3A_318] : memref<16x2048x128xbf16, #tpu.memory_space<vmem>>, vector<1x2048x128xbf16>
      %get3A_320 = vector.shape_cast %get3A_319 : vector<1x2048x128xbf16> to vector<2048x128xbf16>
      %get3A_321 = arith.constant 10 : index
      %get3A_322 = arith.constant 0 : index
      %get3A_323 = arith.constant 0 : index
      %get3A_324 = vector.load %arg14[%get3A_321, %get3A_322, %get3A_323] : memref<16x2048x128xbf16, #tpu.memory_space<vmem>>, vector<1x2048x128xbf16>
      %get3A_325 = vector.shape_cast %get3A_324 : vector<1x2048x128xbf16> to vector<2048x128xbf16>
      %get3A_326 = arith.constant 2 : index
      %get3A_327 = arith.constant 0 : index
      %get3A_328 = arith.constant 0 : index
      %get3A_329 = vector.load %arg13[%get3A_326, %get3A_327, %get3A_328] : memref<8x48x128xf32, #tpu.memory_space<vmem>>, vector<1x48x128xf32>
      %get3A_330 = vector.shape_cast %get3A_329 : vector<1x48x128xf32> to vector<48x128xf32>
      %broadcast_in_dim3A_331 = arith.constant 0.000000e+00 : f32
      %broadcast_in_dim3A_332 = vector.broadcast %broadcast_in_dim3A_331 : f32 to vector<48x128xf32>
      %mul3A_333 = vector.broadcast %mul3A_180 : vector<1x128xf32> to vector<48x128xf32>
      %mul3A_334 = arith.mulf %get3A_330, %mul3A_333 : vector<48x128xf32>
      %convert_element_type3A_335 = arith.truncf %mul3A_334 : vector<48x128xf32> to vector<48x128xbf16>
      %dot_general3A_336 = arith.constant dense<0.000000e+00> : vector<48x2048xf32>
      %dot_general3A_337 = tpu.matmul %convert_element_type3A_335, %get3A_320, %dot_general3A_336 {dimension_numbers = #tpu.dot_dimension_numbers<[1], [1], [0], [0], [0, 0, 1, 0], [], []>, transpose_lhs_hint = false} : vector<48x128xbf16>, vector<2048x128xbf16>, vector<48x2048xf32> -> vector<48x2048xf32>
      %add3A_338 = arith.addf %dot_general3A_337, %select_n3A : vector<48x2048xf32>
      %reduce_max3A_339 = arith.constant dense<0xFF800000> : vector<48xf32>
      %reduce_max3A_340 = vector.multi_reduction <maximumf>, %add3A_338, %reduce_max3A_339 [1] : vector<48x2048xf32> to vector<48xf32>
      %broadcast_in_dim3A_341 = vector.shape_cast %reduce_max3A_340 : vector<48xf32> to vector<48x1xf32>
      %sub3A_342 = vector.broadcast %broadcast_in_dim3A_341 : vector<48x1xf32> to vector<48x2048xf32>
      %sub3A_343 = arith.subf %add3A_338, %sub3A_342 : vector<48x2048xf32>
      %exp23A_344 = math.exp2 %sub3A_343 : vector<48x2048xf32>
      %reduce_sum3A_345 = arith.constant dense<0.000000e+00> : vector<48xf32>
      %reduce_sum3A_346 = vector.multi_reduction <add>, %exp23A_344, %reduce_sum3A_345 [1] : vector<48x2048xf32> to vector<48xf32>
      %broadcast_in_dim3A_347 = vector.shape_cast %reduce_sum3A_346 : vector<48xf32> to vector<48x1xf32>
      %convert_element_type3A_348 = arith.truncf %exp23A_344 : vector<48x2048xf32> to vector<48x2048xbf16>
      %mul3A_349 = vector.broadcast %convert_element_type3A_184 : vector<1x128xbf16> to vector<2048x128xbf16>
      %mul3A_350 = arith.mulf %get3A_325, %mul3A_349 : vector<2048x128xbf16>
      %dot_general3A_351 = arith.constant dense<0.000000e+00> : vector<48x128xf32>
      %dot_general3A_352 = tpu.matmul %convert_element_type3A_348, %mul3A_350, %dot_general3A_351 {dimension_numbers = #tpu.dot_dimension_numbers<[1], [0], [0], [1], [0, 0, 1, 1], [], []>, transpose_lhs_hint = false} : vector<48x2048xbf16>, vector<2048x128xbf16>, vector<48x128xf32> -> vector<48x128xf32>
      %add3A_353 = arith.addf %broadcast_in_dim3A_332, %dot_general3A_352 : vector<48x128xf32>
      %mul3A_354 = vector.broadcast %mul3A_183 : vector<1x128xf32> to vector<48x128xf32>
      %mul3A_355 = arith.mulf %get3A_330, %mul3A_354 : vector<48x128xf32>
      %convert_element_type3A_356 = arith.truncf %mul3A_355 : vector<48x128xf32> to vector<48x128xbf16>
      %dot_general3A_357 = arith.constant dense<0.000000e+00> : vector<48x2048xf32>
      %dot_general3A_358 = tpu.matmul %convert_element_type3A_356, %get3A_320, %dot_general3A_357 {dimension_numbers = #tpu.dot_dimension_numbers<[1], [1], [0], [0], [0, 0, 1, 0], [], []>, transpose_lhs_hint = false} : vector<48x128xbf16>, vector<2048x128xbf16>, vector<48x2048xf32> -> vector<48x2048xf32>
      %add3A_359 = arith.addf %dot_general3A_358, %select_n3A : vector<48x2048xf32>
      %reduce_max3A_360 = arith.constant dense<0xFF800000> : vector<48xf32>
      %reduce_max3A_361 = vector.multi_reduction <maximumf>, %add3A_359, %reduce_max3A_360 [1] : vector<48x2048xf32> to vector<48xf32>
      %broadcast_in_dim3A_362 = vector.shape_cast %reduce_max3A_361 : vector<48xf32> to vector<48x1xf32>
      %sub3A_363 = vector.broadcast %broadcast_in_dim3A_362 : vector<48x1xf32> to vector<48x2048xf32>
      %sub3A_364 = arith.subf %add3A_359, %sub3A_363 : vector<48x2048xf32>
      %exp23A_365 = math.exp2 %sub3A_364 : vector<48x2048xf32>
      %reduce_sum3A_366 = arith.constant dense<0.000000e+00> : vector<48xf32>
      %reduce_sum3A_367 = vector.multi_reduction <add>, %exp23A_365, %reduce_sum3A_366 [1] : vector<48x2048xf32> to vector<48xf32>
      %broadcast_in_dim3A_368 = vector.shape_cast %reduce_sum3A_367 : vector<48xf32> to vector<48x1xf32>
      %convert_element_type3A_369 = arith.truncf %exp23A_365 : vector<48x2048xf32> to vector<48x2048xbf16>
      %mul3A_370 = vector.broadcast %convert_element_type3A_185 : vector<1x128xbf16> to vector<2048x128xbf16>
      %mul3A_371 = arith.mulf %get3A_325, %mul3A_370 : vector<2048x128xbf16>
      %dot_general3A_372 = arith.constant dense<0.000000e+00> : vector<48x128xf32>
      %dot_general3A_373 = tpu.matmul %convert_element_type3A_369, %mul3A_371, %dot_general3A_372 {dimension_numbers = #tpu.dot_dimension_numbers<[1], [0], [0], [1], [0, 0, 1, 1], [], []>, transpose_lhs_hint = false} : vector<48x2048xbf16>, vector<2048x128xbf16>, vector<48x128xf32> -> vector<48x128xf32>
      %add3A_374 = arith.addf %add3A_353, %dot_general3A_373 : vector<48x128xf32>
      %mul3A_375 = vector.broadcast %broadcast_in_dim3A_347 : vector<48x1xf32> to vector<48x128xf32>
      %mul3A_376 = vector.broadcast %convert_element_type3A_175 : vector<1x128xf32> to vector<48x128xf32>
      %mul3A_377 = arith.mulf %mul3A_375, %mul3A_376 : vector<48x128xf32>
      %mul3A_378 = vector.broadcast %broadcast_in_dim3A_368 : vector<48x1xf32> to vector<48x128xf32>
      %mul3A_379 = vector.broadcast %sub3A_177 : vector<1x128xf32> to vector<48x128xf32>
      %mul3A_380 = arith.mulf %mul3A_378, %mul3A_379 : vector<48x128xf32>
      %add3A_381 = arith.addf %mul3A_377, %mul3A_380 : vector<48x128xf32>
      %div3A_382 = arith.divf %add3A_374, %add3A_381 : vector<48x128xf32>
      %get3A_383 = arith.constant 3 : index
      %get3A_384 = arith.constant 0 : index
      %get3A_385 = arith.constant 0 : index
      %get3A_386 = vector.load %arg14[%get3A_383, %get3A_384, %get3A_385] : memref<16x2048x128xbf16, #tpu.memory_space<vmem>>, vector<1x2048x128xbf16>
      %get3A_387 = vector.shape_cast %get3A_386 : vector<1x2048x128xbf16> to vector<2048x128xbf16>
      %get3A_388 = arith.constant 11 : index
      %get3A_389 = arith.constant 0 : index
      %get3A_390 = arith.constant 0 : index
      %get3A_391 = vector.load %arg14[%get3A_388, %get3A_389, %get3A_390] : memref<16x2048x128xbf16, #tpu.memory_space<vmem>>, vector<1x2048x128xbf16>
      %get3A_392 = vector.shape_cast %get3A_391 : vector<1x2048x128xbf16> to vector<2048x128xbf16>
      %get3A_393 = arith.constant 3 : index
      %get3A_394 = arith.constant 0 : index
      %get3A_395 = arith.constant 0 : index
      %get3A_396 = vector.load %arg13[%get3A_393, %get3A_394, %get3A_395] : memref<8x48x128xf32, #tpu.memory_space<vmem>>, vector<1x48x128xf32>
      %get3A_397 = vector.shape_cast %get3A_396 : vector<1x48x128xf32> to vector<48x128xf32>
      %broadcast_in_dim3A_398 = arith.constant 0.000000e+00 : f32
      %broadcast_in_dim3A_399 = vector.broadcast %broadcast_in_dim3A_398 : f32 to vector<48x128xf32>
      %mul3A_400 = vector.broadcast %mul3A_180 : vector<1x128xf32> to vector<48x128xf32>
      %mul3A_401 = arith.mulf %get3A_397, %mul3A_400 : vector<48x128xf32>
      %convert_element_type3A_402 = arith.truncf %mul3A_401 : vector<48x128xf32> to vector<48x128xbf16>
      %dot_general3A_403 = arith.constant dense<0.000000e+00> : vector<48x2048xf32>
      %dot_general3A_404 = tpu.matmul %convert_element_type3A_402, %get3A_387, %dot_general3A_403 {dimension_numbers = #tpu.dot_dimension_numbers<[1], [1], [0], [0], [0, 0, 1, 0], [], []>, transpose_lhs_hint = false} : vector<48x128xbf16>, vector<2048x128xbf16>, vector<48x2048xf32> -> vector<48x2048xf32>
      %add3A_405 = arith.addf %dot_general3A_404, %select_n3A : vector<48x2048xf32>
      %reduce_max3A_406 = arith.constant dense<0xFF800000> : vector<48xf32>
      %reduce_max3A_407 = vector.multi_reduction <maximumf>, %add3A_405, %reduce_max3A_406 [1] : vector<48x2048xf32> to vector<48xf32>
      %broadcast_in_dim3A_408 = vector.shape_cast %reduce_max3A_407 : vector<48xf32> to vector<48x1xf32>
      %sub3A_409 = vector.broadcast %broadcast_in_dim3A_408 : vector<48x1xf32> to vector<48x2048xf32>
      %sub3A_410 = arith.subf %add3A_405, %sub3A_409 : vector<48x2048xf32>
      %exp23A_411 = math.exp2 %sub3A_410 : vector<48x2048xf32>
      %reduce_sum3A_412 = arith.constant dense<0.000000e+00> : vector<48xf32>
      %reduce_sum3A_413 = vector.multi_reduction <add>, %exp23A_411, %reduce_sum3A_412 [1] : vector<48x2048xf32> to vector<48xf32>
      %broadcast_in_dim3A_414 = vector.shape_cast %reduce_sum3A_413 : vector<48xf32> to vector<48x1xf32>
      %convert_element_type3A_415 = arith.truncf %exp23A_411 : vector<48x2048xf32> to vector<48x2048xbf16>
      %mul3A_416 = vector.broadcast %convert_element_type3A_184 : vector<1x128xbf16> to vector<2048x128xbf16>
      %mul3A_417 = arith.mulf %get3A_392, %mul3A_416 : vector<2048x128xbf16>
      %dot_general3A_418 = arith.constant dense<0.000000e+00> : vector<48x128xf32>
      %dot_general3A_419 = tpu.matmul %convert_element_type3A_415, %mul3A_417, %dot_general3A_418 {dimension_numbers = #tpu.dot_dimension_numbers<[1], [0], [0], [1], [0, 0, 1, 1], [], []>, transpose_lhs_hint = false} : vector<48x2048xbf16>, vector<2048x128xbf16>, vector<48x128xf32> -> vector<48x128xf32>
      %add3A_420 = arith.addf %broadcast_in_dim3A_399, %dot_general3A_419 : vector<48x128xf32>
      %mul3A_421 = vector.broadcast %mul3A_183 : vector<1x128xf32> to vector<48x128xf32>
      %mul3A_422 = arith.mulf %get3A_397, %mul3A_421 : vector<48x128xf32>
      %convert_element_type3A_423 = arith.truncf %mul3A_422 : vector<48x128xf32> to vector<48x128xbf16>
      %dot_general3A_424 = arith.constant dense<0.000000e+00> : vector<48x2048xf32>
      %dot_general3A_425 = tpu.matmul %convert_element_type3A_423, %get3A_387, %dot_general3A_424 {dimension_numbers = #tpu.dot_dimension_numbers<[1], [1], [0], [0], [0, 0, 1, 0], [], []>, transpose_lhs_hint = false} : vector<48x128xbf16>, vector<2048x128xbf16>, vector<48x2048xf32> -> vector<48x2048xf32>
      %add3A_426 = arith.addf %dot_general3A_425, %select_n3A : vector<48x2048xf32>
      %reduce_max3A_427 = arith.constant dense<0xFF800000> : vector<48xf32>
      %reduce_max3A_428 = vector.multi_reduction <maximumf>, %add3A_426, %reduce_max3A_427 [1] : vector<48x2048xf32> to vector<48xf32>
      %broadcast_in_dim3A_429 = vector.shape_cast %reduce_max3A_428 : vector<48xf32> to vector<48x1xf32>
      %sub3A_430 = vector.broadcast %broadcast_in_dim3A_429 : vector<48x1xf32> to vector<48x2048xf32>
      %sub3A_431 = arith.subf %add3A_426, %sub3A_430 : vector<48x2048xf32>
      %exp23A_432 = math.exp2 %sub3A_431 : vector<48x2048xf32>
      %reduce_sum3A_433 = arith.constant dense<0.000000e+00> : vector<48xf32>
      %reduce_sum3A_434 = vector.multi_reduction <add>, %exp23A_432, %reduce_sum3A_433 [1] : vector<48x2048xf32> to vector<48xf32>
      %broadcast_in_dim3A_435 = vector.shape_cast %reduce_sum3A_434 : vector<48xf32> to vector<48x1xf32>
      %convert_element_type3A_436 = arith.truncf %exp23A_432 : vector<48x2048xf32> to vector<48x2048xbf16>
      %mul3A_437 = vector.broadcast %convert_element_type3A_185 : vector<1x128xbf16> to vector<2048x128xbf16>
      %mul3A_438 = arith.mulf %get3A_392, %mul3A_437 : vector<2048x128xbf16>
      %dot_general3A_439 = arith.constant dense<0.000000e+00> : vector<48x128xf32>
      %dot_general3A_440 = tpu.matmul %convert_element_type3A_436, %mul3A_438, %dot_general3A_439 {dimension_numbers = #tpu.dot_dimension_numbers<[1], [0], [0], [1], [0, 0, 1, 1], [], []>, transpose_lhs_hint = false} : vector<48x2048xbf16>, vector<2048x128xbf16>, vector<48x128xf32> -> vector<48x128xf32>
      %add3A_441 = arith.addf %add3A_420, %dot_general3A_440 : vector<48x128xf32>
      %mul3A_442 = vector.broadcast %broadcast_in_dim3A_414 : vector<48x1xf32> to vector<48x128xf32>
      %mul3A_443 = vector.broadcast %convert_element_type3A_175 : vector<1x128xf32> to vector<48x128xf32>
      %mul3A_444 = arith.mulf %mul3A_442, %mul3A_443 : vector<48x128xf32>
      %mul3A_445 = vector.broadcast %broadcast_in_dim3A_435 : vector<48x1xf32> to vector<48x128xf32>
      %mul3A_446 = vector.broadcast %sub3A_177 : vector<1x128xf32> to vector<48x128xf32>
      %mul3A_447 = arith.mulf %mul3A_445, %mul3A_446 : vector<48x128xf32>
      %add3A_448 = arith.addf %mul3A_444, %mul3A_447 : vector<48x128xf32>
      %div3A_449 = arith.divf %add3A_441, %add3A_448 : vector<48x128xf32>
      %get3A_450 = arith.constant 4 : index
      %get3A_451 = arith.constant 0 : index
      %get3A_452 = arith.constant 0 : index
      %get3A_453 = vector.load %arg14[%get3A_450, %get3A_451, %get3A_452] : memref<16x2048x128xbf16, #tpu.memory_space<vmem>>, vector<1x2048x128xbf16>
      %get3A_454 = vector.shape_cast %get3A_453 : vector<1x2048x128xbf16> to vector<2048x128xbf16>
      %get3A_455 = arith.constant 12 : index
      %get3A_456 = arith.constant 0 : index
      %get3A_457 = arith.constant 0 : index
      %get3A_458 = vector.load %arg14[%get3A_455, %get3A_456, %get3A_457] : memref<16x2048x128xbf16, #tpu.memory_space<vmem>>, vector<1x2048x128xbf16>
      %get3A_459 = vector.shape_cast %get3A_458 : vector<1x2048x128xbf16> to vector<2048x128xbf16>
      %get3A_460 = arith.constant 4 : index
      %get3A_461 = arith.constant 0 : index
      %get3A_462 = arith.constant 0 : index
      %get3A_463 = vector.load %arg13[%get3A_460, %get3A_461, %get3A_462] : memref<8x48x128xf32, #tpu.memory_space<vmem>>, vector<1x48x128xf32>
      %get3A_464 = vector.shape_cast %get3A_463 : vector<1x48x128xf32> to vector<48x128xf32>
      %broadcast_in_dim3A_465 = arith.constant 0.000000e+00 : f32
      %broadcast_in_dim3A_466 = vector.broadcast %broadcast_in_dim3A_465 : f32 to vector<48x128xf32>
      %mul3A_467 = vector.broadcast %mul3A_180 : vector<1x128xf32> to vector<48x128xf32>
      %mul3A_468 = arith.mulf %get3A_464, %mul3A_467 : vector<48x128xf32>
      %convert_element_type3A_469 = arith.truncf %mul3A_468 : vector<48x128xf32> to vector<48x128xbf16>
      %dot_general3A_470 = arith.constant dense<0.000000e+00> : vector<48x2048xf32>
      %dot_general3A_471 = tpu.matmul %convert_element_type3A_469, %get3A_454, %dot_general3A_470 {dimension_numbers = #tpu.dot_dimension_numbers<[1], [1], [0], [0], [0, 0, 1, 0], [], []>, transpose_lhs_hint = false} : vector<48x128xbf16>, vector<2048x128xbf16>, vector<48x2048xf32> -> vector<48x2048xf32>
      %add3A_472 = arith.addf %dot_general3A_471, %select_n3A : vector<48x2048xf32>
      %reduce_max3A_473 = arith.constant dense<0xFF800000> : vector<48xf32>
      %reduce_max3A_474 = vector.multi_reduction <maximumf>, %add3A_472, %reduce_max3A_473 [1] : vector<48x2048xf32> to vector<48xf32>
      %broadcast_in_dim3A_475 = vector.shape_cast %reduce_max3A_474 : vector<48xf32> to vector<48x1xf32>
      %sub3A_476 = vector.broadcast %broadcast_in_dim3A_475 : vector<48x1xf32> to vector<48x2048xf32>
      %sub3A_477 = arith.subf %add3A_472, %sub3A_476 : vector<48x2048xf32>
      %exp23A_478 = math.exp2 %sub3A_477 : vector<48x2048xf32>
      %reduce_sum3A_479 = arith.constant dense<0.000000e+00> : vector<48xf32>
      %reduce_sum3A_480 = vector.multi_reduction <add>, %exp23A_478, %reduce_sum3A_479 [1] : vector<48x2048xf32> to vector<48xf32>
      %broadcast_in_dim3A_481 = vector.shape_cast %reduce_sum3A_480 : vector<48xf32> to vector<48x1xf32>
      %convert_element_type3A_482 = arith.truncf %exp23A_478 : vector<48x2048xf32> to vector<48x2048xbf16>
      %mul3A_483 = vector.broadcast %convert_element_type3A_184 : vector<1x128xbf16> to vector<2048x128xbf16>
      %mul3A_484 = arith.mulf %get3A_459, %mul3A_483 : vector<2048x128xbf16>
      %dot_general3A_485 = arith.constant dense<0.000000e+00> : vector<48x128xf32>
      %dot_general3A_486 = tpu.matmul %convert_element_type3A_482, %mul3A_484, %dot_general3A_485 {dimension_numbers = #tpu.dot_dimension_numbers<[1], [0], [0], [1], [0, 0, 1, 1], [], []>, transpose_lhs_hint = false} : vector<48x2048xbf16>, vector<2048x128xbf16>, vector<48x128xf32> -> vector<48x128xf32>
      %add3A_487 = arith.addf %broadcast_in_dim3A_466, %dot_general3A_486 : vector<48x128xf32>
      %mul3A_488 = vector.broadcast %mul3A_183 : vector<1x128xf32> to vector<48x128xf32>
      %mul3A_489 = arith.mulf %get3A_464, %mul3A_488 : vector<48x128xf32>
      %convert_element_type3A_490 = arith.truncf %mul3A_489 : vector<48x128xf32> to vector<48x128xbf16>
      %dot_general3A_491 = arith.constant dense<0.000000e+00> : vector<48x2048xf32>
      %dot_general3A_492 = tpu.matmul %convert_element_type3A_490, %get3A_454, %dot_general3A_491 {dimension_numbers = #tpu.dot_dimension_numbers<[1], [1], [0], [0], [0, 0, 1, 0], [], []>, transpose_lhs_hint = false} : vector<48x128xbf16>, vector<2048x128xbf16>, vector<48x2048xf32> -> vector<48x2048xf32>
      %add3A_493 = arith.addf %dot_general3A_492, %select_n3A : vector<48x2048xf32>
      %reduce_max3A_494 = arith.constant dense<0xFF800000> : vector<48xf32>
      %reduce_max3A_495 = vector.multi_reduction <maximumf>, %add3A_493, %reduce_max3A_494 [1] : vector<48x2048xf32> to vector<48xf32>
      %broadcast_in_dim3A_496 = vector.shape_cast %reduce_max3A_495 : vector<48xf32> to vector<48x1xf32>
      %sub3A_497 = vector.broadcast %broadcast_in_dim3A_496 : vector<48x1xf32> to vector<48x2048xf32>
      %sub3A_498 = arith.subf %add3A_493, %sub3A_497 : vector<48x2048xf32>
      %exp23A_499 = math.exp2 %sub3A_498 : vector<48x2048xf32>
      %reduce_sum3A_500 = arith.constant dense<0.000000e+00> : vector<48xf32>
      %reduce_sum3A_501 = vector.multi_reduction <add>, %exp23A_499, %reduce_sum3A_500 [1] : vector<48x2048xf32> to vector<48xf32>
      %broadcast_in_dim3A_502 = vector.shape_cast %reduce_sum3A_501 : vector<48xf32> to vector<48x1xf32>
      %convert_element_type3A_503 = arith.truncf %exp23A_499 : vector<48x2048xf32> to vector<48x2048xbf16>
      %mul3A_504 = vector.broadcast %convert_element_type3A_185 : vector<1x128xbf16> to vector<2048x128xbf16>
      %mul3A_505 = arith.mulf %get3A_459, %mul3A_504 : vector<2048x128xbf16>
      %dot_general3A_506 = arith.constant dense<0.000000e+00> : vector<48x128xf32>
      %dot_general3A_507 = tpu.matmul %convert_element_type3A_503, %mul3A_505, %dot_general3A_506 {dimension_numbers = #tpu.dot_dimension_numbers<[1], [0], [0], [1], [0, 0, 1, 1], [], []>, transpose_lhs_hint = false} : vector<48x2048xbf16>, vector<2048x128xbf16>, vector<48x128xf32> -> vector<48x128xf32>
      %add3A_508 = arith.addf %add3A_487, %dot_general3A_507 : vector<48x128xf32>
      %mul3A_509 = vector.broadcast %broadcast_in_dim3A_481 : vector<48x1xf32> to vector<48x128xf32>
      %mul3A_510 = vector.broadcast %convert_element_type3A_175 : vector<1x128xf32> to vector<48x128xf32>
      %mul3A_511 = arith.mulf %mul3A_509, %mul3A_510 : vector<48x128xf32>
      %mul3A_512 = vector.broadcast %broadcast_in_dim3A_502 : vector<48x1xf32> to vector<48x128xf32>
      %mul3A_513 = vector.broadcast %sub3A_177 : vector<1x128xf32> to vector<48x128xf32>
      %mul3A_514 = arith.mulf %mul3A_512, %mul3A_513 : vector<48x128xf32>
      %add3A_515 = arith.addf %mul3A_511, %mul3A_514 : vector<48x128xf32>
      %div3A_516 = arith.divf %add3A_508, %add3A_515 : vector<48x128xf32>
      %get3A_517 = arith.constant 5 : index
      %get3A_518 = arith.constant 0 : index
      %get3A_519 = arith.constant 0 : index
      %get3A_520 = vector.load %arg14[%get3A_517, %get3A_518, %get3A_519] : memref<16x2048x128xbf16, #tpu.memory_space<vmem>>, vector<1x2048x128xbf16>
      %get3A_521 = vector.shape_cast %get3A_520 : vector<1x2048x128xbf16> to vector<2048x128xbf16>
      %get3A_522 = arith.constant 13 : index
      %get3A_523 = arith.constant 0 : index
      %get3A_524 = arith.constant 0 : index
      %get3A_525 = vector.load %arg14[%get3A_522, %get3A_523, %get3A_524] : memref<16x2048x128xbf16, #tpu.memory_space<vmem>>, vector<1x2048x128xbf16>
      %get3A_526 = vector.shape_cast %get3A_525 : vector<1x2048x128xbf16> to vector<2048x128xbf16>
      %get3A_527 = arith.constant 5 : index
      %get3A_528 = arith.constant 0 : index
      %get3A_529 = arith.constant 0 : index
      %get3A_530 = vector.load %arg13[%get3A_527, %get3A_528, %get3A_529] : memref<8x48x128xf32, #tpu.memory_space<vmem>>, vector<1x48x128xf32>
      %get3A_531 = vector.shape_cast %get3A_530 : vector<1x48x128xf32> to vector<48x128xf32>
      %broadcast_in_dim3A_532 = arith.constant 0.000000e+00 : f32
      %broadcast_in_dim3A_533 = vector.broadcast %broadcast_in_dim3A_532 : f32 to vector<48x128xf32>
      %mul3A_534 = vector.broadcast %mul3A_180 : vector<1x128xf32> to vector<48x128xf32>
      %mul3A_535 = arith.mulf %get3A_531, %mul3A_534 : vector<48x128xf32>
      %convert_element_type3A_536 = arith.truncf %mul3A_535 : vector<48x128xf32> to vector<48x128xbf16>
      %dot_general3A_537 = arith.constant dense<0.000000e+00> : vector<48x2048xf32>
      %dot_general3A_538 = tpu.matmul %convert_element_type3A_536, %get3A_521, %dot_general3A_537 {dimension_numbers = #tpu.dot_dimension_numbers<[1], [1], [0], [0], [0, 0, 1, 0], [], []>, transpose_lhs_hint = false} : vector<48x128xbf16>, vector<2048x128xbf16>, vector<48x2048xf32> -> vector<48x2048xf32>
      %add3A_539 = arith.addf %dot_general3A_538, %select_n3A : vector<48x2048xf32>
      %reduce_max3A_540 = arith.constant dense<0xFF800000> : vector<48xf32>
      %reduce_max3A_541 = vector.multi_reduction <maximumf>, %add3A_539, %reduce_max3A_540 [1] : vector<48x2048xf32> to vector<48xf32>
      %broadcast_in_dim3A_542 = vector.shape_cast %reduce_max3A_541 : vector<48xf32> to vector<48x1xf32>
      %sub3A_543 = vector.broadcast %broadcast_in_dim3A_542 : vector<48x1xf32> to vector<48x2048xf32>
      %sub3A_544 = arith.subf %add3A_539, %sub3A_543 : vector<48x2048xf32>
      %exp23A_545 = math.exp2 %sub3A_544 : vector<48x2048xf32>
      %reduce_sum3A_546 = arith.constant dense<0.000000e+00> : vector<48xf32>
      %reduce_sum3A_547 = vector.multi_reduction <add>, %exp23A_545, %reduce_sum3A_546 [1] : vector<48x2048xf32> to vector<48xf32>
      %broadcast_in_dim3A_548 = vector.shape_cast %reduce_sum3A_547 : vector<48xf32> to vector<48x1xf32>
      %convert_element_type3A_549 = arith.truncf %exp23A_545 : vector<48x2048xf32> to vector<48x2048xbf16>
      %mul3A_550 = vector.broadcast %convert_element_type3A_184 : vector<1x128xbf16> to vector<2048x128xbf16>
      %mul3A_551 = arith.mulf %get3A_526, %mul3A_550 : vector<2048x128xbf16>
      %dot_general3A_552 = arith.constant dense<0.000000e+00> : vector<48x128xf32>
      %dot_general3A_553 = tpu.matmul %convert_element_type3A_549, %mul3A_551, %dot_general3A_552 {dimension_numbers = #tpu.dot_dimension_numbers<[1], [0], [0], [1], [0, 0, 1, 1], [], []>, transpose_lhs_hint = false} : vector<48x2048xbf16>, vector<2048x128xbf16>, vector<48x128xf32> -> vector<48x128xf32>
      %add3A_554 = arith.addf %broadcast_in_dim3A_533, %dot_general3A_553 : vector<48x128xf32>
      %mul3A_555 = vector.broadcast %mul3A_183 : vector<1x128xf32> to vector<48x128xf32>
      %mul3A_556 = arith.mulf %get3A_531, %mul3A_555 : vector<48x128xf32>
      %convert_element_type3A_557 = arith.truncf %mul3A_556 : vector<48x128xf32> to vector<48x128xbf16>
      %dot_general3A_558 = arith.constant dense<0.000000e+00> : vector<48x2048xf32>
      %dot_general3A_559 = tpu.matmul %convert_element_type3A_557, %get3A_521, %dot_general3A_558 {dimension_numbers = #tpu.dot_dimension_numbers<[1], [1], [0], [0], [0, 0, 1, 0], [], []>, transpose_lhs_hint = false} : vector<48x128xbf16>, vector<2048x128xbf16>, vector<48x2048xf32> -> vector<48x2048xf32>
      %add3A_560 = arith.addf %dot_general3A_559, %select_n3A : vector<48x2048xf32>
      %reduce_max3A_561 = arith.constant dense<0xFF800000> : vector<48xf32>
      %reduce_max3A_562 = vector.multi_reduction <maximumf>, %add3A_560, %reduce_max3A_561 [1] : vector<48x2048xf32> to vector<48xf32>
      %broadcast_in_dim3A_563 = vector.shape_cast %reduce_max3A_562 : vector<48xf32> to vector<48x1xf32>
      %sub3A_564 = vector.broadcast %broadcast_in_dim3A_563 : vector<48x1xf32> to vector<48x2048xf32>
      %sub3A_565 = arith.subf %add3A_560, %sub3A_564 : vector<48x2048xf32>
      %exp23A_566 = math.exp2 %sub3A_565 : vector<48x2048xf32>
      %reduce_sum3A_567 = arith.constant dense<0.000000e+00> : vector<48xf32>
      %reduce_sum3A_568 = vector.multi_reduction <add>, %exp23A_566, %reduce_sum3A_567 [1] : vector<48x2048xf32> to vector<48xf32>
      %broadcast_in_dim3A_569 = vector.shape_cast %reduce_sum3A_568 : vector<48xf32> to vector<48x1xf32>
      %convert_element_type3A_570 = arith.truncf %exp23A_566 : vector<48x2048xf32> to vector<48x2048xbf16>
      %mul3A_571 = vector.broadcast %convert_element_type3A_185 : vector<1x128xbf16> to vector<2048x128xbf16>
      %mul3A_572 = arith.mulf %get3A_526, %mul3A_571 : vector<2048x128xbf16>
      %dot_general3A_573 = arith.constant dense<0.000000e+00> : vector<48x128xf32>
      %dot_general3A_574 = tpu.matmul %convert_element_type3A_570, %mul3A_572, %dot_general3A_573 {dimension_numbers = #tpu.dot_dimension_numbers<[1], [0], [0], [1], [0, 0, 1, 1], [], []>, transpose_lhs_hint = false} : vector<48x2048xbf16>, vector<2048x128xbf16>, vector<48x128xf32> -> vector<48x128xf32>
      %add3A_575 = arith.addf %add3A_554, %dot_general3A_574 : vector<48x128xf32>
      %mul3A_576 = vector.broadcast %broadcast_in_dim3A_548 : vector<48x1xf32> to vector<48x128xf32>
      %mul3A_577 = vector.broadcast %convert_element_type3A_175 : vector<1x128xf32> to vector<48x128xf32>
      %mul3A_578 = arith.mulf %mul3A_576, %mul3A_577 : vector<48x128xf32>
      %mul3A_579 = vector.broadcast %broadcast_in_dim3A_569 : vector<48x1xf32> to vector<48x128xf32>
      %mul3A_580 = vector.broadcast %sub3A_177 : vector<1x128xf32> to vector<48x128xf32>
      %mul3A_581 = arith.mulf %mul3A_579, %mul3A_580 : vector<48x128xf32>
      %add3A_582 = arith.addf %mul3A_578, %mul3A_581 : vector<48x128xf32>
      %div3A_583 = arith.divf %add3A_575, %add3A_582 : vector<48x128xf32>
      %get3A_584 = arith.constant 6 : index
      %get3A_585 = arith.constant 0 : index
      %get3A_586 = arith.constant 0 : index
      %get3A_587 = vector.load %arg14[%get3A_584, %get3A_585, %get3A_586] : memref<16x2048x128xbf16, #tpu.memory_space<vmem>>, vector<1x2048x128xbf16>
      %get3A_588 = vector.shape_cast %get3A_587 : vector<1x2048x128xbf16> to vector<2048x128xbf16>
      %get3A_589 = arith.constant 14 : index
      %get3A_590 = arith.constant 0 : index
      %get3A_591 = arith.constant 0 : index
      %get3A_592 = vector.load %arg14[%get3A_589, %get3A_590, %get3A_591] : memref<16x2048x128xbf16, #tpu.memory_space<vmem>>, vector<1x2048x128xbf16>
      %get3A_593 = vector.shape_cast %get3A_592 : vector<1x2048x128xbf16> to vector<2048x128xbf16>
      %get3A_594 = arith.constant 6 : index
      %get3A_595 = arith.constant 0 : index
      %get3A_596 = arith.constant 0 : index
      %get3A_597 = vector.load %arg13[%get3A_594, %get3A_595, %get3A_596] : memref<8x48x128xf32, #tpu.memory_space<vmem>>, vector<1x48x128xf32>
      %get3A_598 = vector.shape_cast %get3A_597 : vector<1x48x128xf32> to vector<48x128xf32>
      %broadcast_in_dim3A_599 = arith.constant 0.000000e+00 : f32
      %broadcast_in_dim3A_600 = vector.broadcast %broadcast_in_dim3A_599 : f32 to vector<48x128xf32>
      %mul3A_601 = vector.broadcast %mul3A_180 : vector<1x128xf32> to vector<48x128xf32>
      %mul3A_602 = arith.mulf %get3A_598, %mul3A_601 : vector<48x128xf32>
      %convert_element_type3A_603 = arith.truncf %mul3A_602 : vector<48x128xf32> to vector<48x128xbf16>
      %dot_general3A_604 = arith.constant dense<0.000000e+00> : vector<48x2048xf32>
      %dot_general3A_605 = tpu.matmul %convert_element_type3A_603, %get3A_588, %dot_general3A_604 {dimension_numbers = #tpu.dot_dimension_numbers<[1], [1], [0], [0], [0, 0, 1, 0], [], []>, transpose_lhs_hint = false} : vector<48x128xbf16>, vector<2048x128xbf16>, vector<48x2048xf32> -> vector<48x2048xf32>
      %add3A_606 = arith.addf %dot_general3A_605, %select_n3A : vector<48x2048xf32>
      %reduce_max3A_607 = arith.constant dense<0xFF800000> : vector<48xf32>
      %reduce_max3A_608 = vector.multi_reduction <maximumf>, %add3A_606, %reduce_max3A_607 [1] : vector<48x2048xf32> to vector<48xf32>
      %broadcast_in_dim3A_609 = vector.shape_cast %reduce_max3A_608 : vector<48xf32> to vector<48x1xf32>
      %sub3A_610 = vector.broadcast %broadcast_in_dim3A_609 : vector<48x1xf32> to vector<48x2048xf32>
      %sub3A_611 = arith.subf %add3A_606, %sub3A_610 : vector<48x2048xf32>
      %exp23A_612 = math.exp2 %sub3A_611 : vector<48x2048xf32>
      %reduce_sum3A_613 = arith.constant dense<0.000000e+00> : vector<48xf32>
      %reduce_sum3A_614 = vector.multi_reduction <add>, %exp23A_612, %reduce_sum3A_613 [1] : vector<48x2048xf32> to vector<48xf32>
      %broadcast_in_dim3A_615 = vector.shape_cast %reduce_sum3A_614 : vector<48xf32> to vector<48x1xf32>
      %convert_element_type3A_616 = arith.truncf %exp23A_612 : vector<48x2048xf32> to vector<48x2048xbf16>
      %mul3A_617 = vector.broadcast %convert_element_type3A_184 : vector<1x128xbf16> to vector<2048x128xbf16>
      %mul3A_618 = arith.mulf %get3A_593, %mul3A_617 : vector<2048x128xbf16>
      %dot_general3A_619 = arith.constant dense<0.000000e+00> : vector<48x128xf32>
      %dot_general3A_620 = tpu.matmul %convert_element_type3A_616, %mul3A_618, %dot_general3A_619 {dimension_numbers = #tpu.dot_dimension_numbers<[1], [0], [0], [1], [0, 0, 1, 1], [], []>, transpose_lhs_hint = false} : vector<48x2048xbf16>, vector<2048x128xbf16>, vector<48x128xf32> -> vector<48x128xf32>
      %add3A_621 = arith.addf %broadcast_in_dim3A_600, %dot_general3A_620 : vector<48x128xf32>
      %mul3A_622 = vector.broadcast %mul3A_183 : vector<1x128xf32> to vector<48x128xf32>
      %mul3A_623 = arith.mulf %get3A_598, %mul3A_622 : vector<48x128xf32>
      %convert_element_type3A_624 = arith.truncf %mul3A_623 : vector<48x128xf32> to vector<48x128xbf16>
      %dot_general3A_625 = arith.constant dense<0.000000e+00> : vector<48x2048xf32>
      %dot_general3A_626 = tpu.matmul %convert_element_type3A_624, %get3A_588, %dot_general3A_625 {dimension_numbers = #tpu.dot_dimension_numbers<[1], [1], [0], [0], [0, 0, 1, 0], [], []>, transpose_lhs_hint = false} : vector<48x128xbf16>, vector<2048x128xbf16>, vector<48x2048xf32> -> vector<48x2048xf32>
      %add3A_627 = arith.addf %dot_general3A_626, %select_n3A : vector<48x2048xf32>
      %reduce_max3A_628 = arith.constant dense<0xFF800000> : vector<48xf32>
      %reduce_max3A_629 = vector.multi_reduction <maximumf>, %add3A_627, %reduce_max3A_628 [1] : vector<48x2048xf32> to vector<48xf32>
      %broadcast_in_dim3A_630 = vector.shape_cast %reduce_max3A_629 : vector<48xf32> to vector<48x1xf32>
      %sub3A_631 = vector.broadcast %broadcast_in_dim3A_630 : vector<48x1xf32> to vector<48x2048xf32>
      %sub3A_632 = arith.subf %add3A_627, %sub3A_631 : vector<48x2048xf32>
      %exp23A_633 = math.exp2 %sub3A_632 : vector<48x2048xf32>
      %reduce_sum3A_634 = arith.constant dense<0.000000e+00> : vector<48xf32>
      %reduce_sum3A_635 = vector.multi_reduction <add>, %exp23A_633, %reduce_sum3A_634 [1] : vector<48x2048xf32> to vector<48xf32>
      %broadcast_in_dim3A_636 = vector.shape_cast %reduce_sum3A_635 : vector<48xf32> to vector<48x1xf32>
      %convert_element_type3A_637 = arith.truncf %exp23A_633 : vector<48x2048xf32> to vector<48x2048xbf16>
      %mul3A_638 = vector.broadcast %convert_element_type3A_185 : vector<1x128xbf16> to vector<2048x128xbf16>
      %mul3A_639 = arith.mulf %get3A_593, %mul3A_638 : vector<2048x128xbf16>
      %dot_general3A_640 = arith.constant dense<0.000000e+00> : vector<48x128xf32>
      %dot_general3A_641 = tpu.matmul %convert_element_type3A_637, %mul3A_639, %dot_general3A_640 {dimension_numbers = #tpu.dot_dimension_numbers<[1], [0], [0], [1], [0, 0, 1, 1], [], []>, transpose_lhs_hint = false} : vector<48x2048xbf16>, vector<2048x128xbf16>, vector<48x128xf32> -> vector<48x128xf32>
      %add3A_642 = arith.addf %add3A_621, %dot_general3A_641 : vector<48x128xf32>
      %mul3A_643 = vector.broadcast %broadcast_in_dim3A_615 : vector<48x1xf32> to vector<48x128xf32>
      %mul3A_644 = vector.broadcast %convert_element_type3A_175 : vector<1x128xf32> to vector<48x128xf32>
      %mul3A_645 = arith.mulf %mul3A_643, %mul3A_644 : vector<48x128xf32>
      %mul3A_646 = vector.broadcast %broadcast_in_dim3A_636 : vector<48x1xf32> to vector<48x128xf32>
      %mul3A_647 = vector.broadcast %sub3A_177 : vector<1x128xf32> to vector<48x128xf32>
      %mul3A_648 = arith.mulf %mul3A_646, %mul3A_647 : vector<48x128xf32>
      %add3A_649 = arith.addf %mul3A_645, %mul3A_648 : vector<48x128xf32>
      %div3A_650 = arith.divf %add3A_642, %add3A_649 : vector<48x128xf32>
      %get3A_651 = arith.constant 7 : index
      %get3A_652 = arith.constant 0 : index
      %get3A_653 = arith.constant 0 : index
      %get3A_654 = vector.load %arg14[%get3A_651, %get3A_652, %get3A_653] : memref<16x2048x128xbf16, #tpu.memory_space<vmem>>, vector<1x2048x128xbf16>
      %get3A_655 = vector.shape_cast %get3A_654 : vector<1x2048x128xbf16> to vector<2048x128xbf16>
      %get3A_656 = arith.constant 15 : index
      %get3A_657 = arith.constant 0 : index
      %get3A_658 = arith.constant 0 : index
      %get3A_659 = vector.load %arg14[%get3A_656, %get3A_657, %get3A_658] : memref<16x2048x128xbf16, #tpu.memory_space<vmem>>, vector<1x2048x128xbf16>
      %get3A_660 = vector.shape_cast %get3A_659 : vector<1x2048x128xbf16> to vector<2048x128xbf16>
      %get3A_661 = arith.constant 7 : index
      %get3A_662 = arith.constant 0 : index
      %get3A_663 = arith.constant 0 : index
      %get3A_664 = vector.load %arg13[%get3A_661, %get3A_662, %get3A_663] : memref<8x48x128xf32, #tpu.memory_space<vmem>>, vector<1x48x128xf32>
      %get3A_665 = vector.shape_cast %get3A_664 : vector<1x48x128xf32> to vector<48x128xf32>
      %broadcast_in_dim3A_666 = arith.constant 0.000000e+00 : f32
      %broadcast_in_dim3A_667 = vector.broadcast %broadcast_in_dim3A_666 : f32 to vector<48x128xf32>
      %mul3A_668 = vector.broadcast %mul3A_180 : vector<1x128xf32> to vector<48x128xf32>
      %mul3A_669 = arith.mulf %get3A_665, %mul3A_668 : vector<48x128xf32>
      %convert_element_type3A_670 = arith.truncf %mul3A_669 : vector<48x128xf32> to vector<48x128xbf16>
      %dot_general3A_671 = arith.constant dense<0.000000e+00> : vector<48x2048xf32>
      %dot_general3A_672 = tpu.matmul %convert_element_type3A_670, %get3A_655, %dot_general3A_671 {dimension_numbers = #tpu.dot_dimension_numbers<[1], [1], [0], [0], [0, 0, 1, 0], [], []>, transpose_lhs_hint = false} : vector<48x128xbf16>, vector<2048x128xbf16>, vector<48x2048xf32> -> vector<48x2048xf32>
      %add3A_673 = arith.addf %dot_general3A_672, %select_n3A : vector<48x2048xf32>
      %reduce_max3A_674 = arith.constant dense<0xFF800000> : vector<48xf32>
      %reduce_max3A_675 = vector.multi_reduction <maximumf>, %add3A_673, %reduce_max3A_674 [1] : vector<48x2048xf32> to vector<48xf32>
      %broadcast_in_dim3A_676 = vector.shape_cast %reduce_max3A_675 : vector<48xf32> to vector<48x1xf32>
      %sub3A_677 = vector.broadcast %broadcast_in_dim3A_676 : vector<48x1xf32> to vector<48x2048xf32>
      %sub3A_678 = arith.subf %add3A_673, %sub3A_677 : vector<48x2048xf32>
      %exp23A_679 = math.exp2 %sub3A_678 : vector<48x2048xf32>
      %reduce_sum3A_680 = arith.constant dense<0.000000e+00> : vector<48xf32>
      %reduce_sum3A_681 = vector.multi_reduction <add>, %exp23A_679, %reduce_sum3A_680 [1] : vector<48x2048xf32> to vector<48xf32>
      %broadcast_in_dim3A_682 = vector.shape_cast %reduce_sum3A_681 : vector<48xf32> to vector<48x1xf32>
      %convert_element_type3A_683 = arith.truncf %exp23A_679 : vector<48x2048xf32> to vector<48x2048xbf16>
      %mul3A_684 = vector.broadcast %convert_element_type3A_184 : vector<1x128xbf16> to vector<2048x128xbf16>
      %mul3A_685 = arith.mulf %get3A_660, %mul3A_684 : vector<2048x128xbf16>
      %dot_general3A_686 = arith.constant dense<0.000000e+00> : vector<48x128xf32>
      %dot_general3A_687 = tpu.matmul %convert_element_type3A_683, %mul3A_685, %dot_general3A_686 {dimension_numbers = #tpu.dot_dimension_numbers<[1], [0], [0], [1], [0, 0, 1, 1], [], []>, transpose_lhs_hint = false} : vector<48x2048xbf16>, vector<2048x128xbf16>, vector<48x128xf32> -> vector<48x128xf32>
      %add3A_688 = arith.addf %broadcast_in_dim3A_667, %dot_general3A_687 : vector<48x128xf32>
      %mul3A_689 = vector.broadcast %mul3A_183 : vector<1x128xf32> to vector<48x128xf32>
      %mul3A_690 = arith.mulf %get3A_665, %mul3A_689 : vector<48x128xf32>
      %convert_element_type3A_691 = arith.truncf %mul3A_690 : vector<48x128xf32> to vector<48x128xbf16>
      %dot_general3A_692 = arith.constant dense<0.000000e+00> : vector<48x2048xf32>
      %dot_general3A_693 = tpu.matmul %convert_element_type3A_691, %get3A_655, %dot_general3A_692 {dimension_numbers = #tpu.dot_dimension_numbers<[1], [1], [0], [0], [0, 0, 1, 0], [], []>, transpose_lhs_hint = false} : vector<48x128xbf16>, vector<2048x128xbf16>, vector<48x2048xf32> -> vector<48x2048xf32>
      %add3A_694 = arith.addf %dot_general3A_693, %select_n3A : vector<48x2048xf32>
      %reduce_max3A_695 = arith.constant dense<0xFF800000> : vector<48xf32>
      %reduce_max3A_696 = vector.multi_reduction <maximumf>, %add3A_694, %reduce_max3A_695 [1] : vector<48x2048xf32> to vector<48xf32>
      %broadcast_in_dim3A_697 = vector.shape_cast %reduce_max3A_696 : vector<48xf32> to vector<48x1xf32>
      %sub3A_698 = vector.broadcast %broadcast_in_dim3A_697 : vector<48x1xf32> to vector<48x2048xf32>
      %sub3A_699 = arith.subf %add3A_694, %sub3A_698 : vector<48x2048xf32>
      %exp23A_700 = math.exp2 %sub3A_699 : vector<48x2048xf32>
      %reduce_sum3A_701 = arith.constant dense<0.000000e+00> : vector<48xf32>
      %reduce_sum3A_702 = vector.multi_reduction <add>, %exp23A_700, %reduce_sum3A_701 [1] : vector<48x2048xf32> to vector<48xf32>
      %broadcast_in_dim3A_703 = vector.shape_cast %reduce_sum3A_702 : vector<48xf32> to vector<48x1xf32>
      %convert_element_type3A_704 = arith.truncf %exp23A_700 : vector<48x2048xf32> to vector<48x2048xbf16>
      %mul3A_705 = vector.broadcast %convert_element_type3A_185 : vector<1x128xbf16> to vector<2048x128xbf16>
      %mul3A_706 = arith.mulf %get3A_660, %mul3A_705 : vector<2048x128xbf16>
      %dot_general3A_707 = arith.constant dense<0.000000e+00> : vector<48x128xf32>
      %dot_general3A_708 = tpu.matmul %convert_element_type3A_704, %mul3A_706, %dot_general3A_707 {dimension_numbers = #tpu.dot_dimension_numbers<[1], [0], [0], [1], [0, 0, 1, 1], [], []>, transpose_lhs_hint = false} : vector<48x2048xbf16>, vector<2048x128xbf16>, vector<48x128xf32> -> vector<48x128xf32>
      %add3A_709 = arith.addf %add3A_688, %dot_general3A_708 : vector<48x128xf32>
      %mul3A_710 = vector.broadcast %broadcast_in_dim3A_682 : vector<48x1xf32> to vector<48x128xf32>
      %mul3A_711 = vector.broadcast %convert_element_type3A_175 : vector<1x128xf32> to vector<48x128xf32>
      %mul3A_712 = arith.mulf %mul3A_710, %mul3A_711 : vector<48x128xf32>
      %mul3A_713 = vector.broadcast %broadcast_in_dim3A_703 : vector<48x1xf32> to vector<48x128xf32>
      %mul3A_714 = vector.broadcast %sub3A_177 : vector<1x128xf32> to vector<48x128xf32>
      %mul3A_715 = arith.mulf %mul3A_713, %mul3A_714 : vector<48x128xf32>
      %add3A_716 = arith.addf %mul3A_712, %mul3A_715 : vector<48x128xf32>
      %div3A_717 = arith.divf %add3A_709, %add3A_716 : vector<48x128xf32>
      %concatenate3A = tpu.concatenate %div3A, %div3A_315, %div3A_382, %div3A_449, %div3A_516, %div3A_583, %div3A_650, %div3A_717 in 1 : vector<48x128xf32>, vector<48x128xf32>, vector<48x128xf32>, vector<48x128xf32>, vector<48x128xf32>, vector<48x128xf32>, vector<48x128xf32>, vector<48x128xf32> -> vector<48x1024xf32>
      %convert_element_type3A_718 = arith.truncf %concatenate3A : vector<48x1024xf32> to vector<48x1024xbf16>
      %get3A_719 = arith.constant 0 : index
      %get3A_720 = arith.constant 0 : index
      %get3A_721 = vector.load %arg7[%get3A_719, %get3A_720] : memref<1024x1024xbf16, #tpu.memory_space<vmem>>, vector<1024x1024xbf16>
      %dot_general3A_722 = arith.constant dense<0.000000e+00> : vector<48x1024xf32>
      %dot_general3A_723 = tpu.matmul %convert_element_type3A_718, %get3A_721, %dot_general3A_722 {dimension_numbers = #tpu.dot_dimension_numbers<[1], [1], [0], [0], [0, 0, 1, 0], [], []>, transpose_lhs_hint = false} : vector<48x1024xbf16>, vector<1024x1024xbf16>, vector<48x1024xf32> -> vector<48x1024xf32>
      %get3A_724 = arith.constant 0 : index
      %get3A_725 = arith.constant 0 : index
      %get3A_726 = vector.load %arg8[%get3A_724, %get3A_725] : memref<1x1024xf32, #tpu.memory_space<vmem>>, vector<1x1024xf32>
      %add3A_727 = vector.broadcast %get3A_726 : vector<1x1024xf32> to vector<48x1024xf32>
      %add3A_728 = arith.addf %dot_general3A_723, %add3A_727 : vector<48x1024xf32>
      %get3A_729 = arith.constant 0 : index
      %get3A_730 = arith.constant 0 : index
      %get3A_731 = arith.constant 0 : index
      %get3A_732 = vector.load %arg10[%get3A_729, %get3A_730, %get3A_731] : memref<1x48x1024xf32, #tpu.memory_space<vmem>>, vector<1x48x1024xf32>
      %get3A_733 = vector.shape_cast %get3A_732 : vector<1x48x1024xf32> to vector<48x1024xf32>
      %get3A_734 = arith.constant 0 : index
      %get3A_735 = arith.constant 0 : index
      %get3A_736 = vector.load %arg9[%get3A_734, %get3A_735] : memref<1x1024xf32, #tpu.memory_space<vmem>>, vector<1x1024xf32>
      %mul3A_737 = vector.broadcast %get3A_736 : vector<1x1024xf32> to vector<48x1024xf32>
      %mul3A_738 = arith.mulf %get3A_733, %mul3A_737 : vector<48x1024xf32>
      %reduce_sum3A_739 = arith.constant dense<0.000000e+00> : vector<48xf32>
      %reduce_sum3A_740 = vector.multi_reduction <add>, %mul3A_738, %reduce_sum3A_739 [1] : vector<48x1024xf32> to vector<48xf32>
      %broadcast_in_dim3A_741 = vector.shape_cast %reduce_sum3A_740 : vector<48xf32> to vector<48x1xf32>
      %logistic3A = arith.negf %broadcast_in_dim3A_741 : vector<48x1xf32>
      %logistic3A_742 = math.exp %logistic3A : vector<48x1xf32>
      %logistic3A_743 = arith.constant 1.000000e+00 : f32
      %logistic3A_744 = vector.broadcast %logistic3A_743 : f32 to vector<48x1xf32>
      %logistic3A_745 = arith.addf %logistic3A_744, %logistic3A_742 : vector<48x1xf32>
      %logistic3A_746 = arith.divf %logistic3A_744, %logistic3A_745 : vector<48x1xf32>
      %mul3A_747 = vector.broadcast %logistic3A_746 : vector<48x1xf32> to vector<48x1024xf32>
      %mul3A_748 = arith.mulf %add3A_728, %mul3A_747 : vector<48x1024xf32>
      %swap3A_749 = arith.constant 0 : index
      %swap3A_750 = arith.constant 0 : index
      %swap3A_751 = arith.constant 0 : index
      %swap3A_752 = vector.load %arg12[%swap3A_749, %swap3A_750, %swap3A_751] : memref<1x48x1024xf32, #tpu.memory_space<vmem>>, vector<1x48x1024xf32>
      %swap3A_753 = vector.shape_cast %swap3A_752 : vector<1x48x1024xf32> to vector<48x1024xf32>
      %swap3A_754 = vector.shape_cast %mul3A_748 : vector<48x1024xf32> to vector<1x48x1024xf32>
      tpu.vector_store %arg12[%swap3A_749, %swap3A_750, %swap3A_751], %swap3A_754 {strides = array<i32>} : memref<1x48x1024xf32, #tpu.memory_space<vmem>>, vector<1x48x1024xf32>,
    } else {
    }
    return
  }
  func.func @transform_0(%arg0: i32, %arg1: i32) -> (i32, i32, i32) {
    %c0_i32 = arith.constant 0 : i32
    %c0_i32_0 = arith.constant 0 : i32
    return %arg0, %arg1, %c0_i32 : i32, i32, i32
  }
  func.func @transform_1(%arg0: i32, %arg1: i32) -> (i32, i32, i32) {
    %c0_i32 = arith.constant 0 : i32
    %c0_i32_0 = arith.constant 0 : i32
    %c0_i32_1 = arith.constant 0 : i32
    %c0_i32_2 = arith.constant 0 : i32
    return %c0_i32, %c0_i32_0, %c0_i32_1 : i32, i32, i32
  }
  func.func @transform_2(%arg0: i32, %arg1: i32) -> (i32, i32, i32) {
    %c0_i32 = arith.constant 0 : i32
    %c0_i32_0 = arith.constant 0 : i32
    %c0_i32_1 = arith.constant 0 : i32
    %c0_i32_2 = arith.constant 0 : i32
    return %c0_i32, %c0_i32_0, %c0_i32_1 : i32, i32, i32
  }
  func.func @transform_3(%arg0: i32, %arg1: i32) -> (i32, i32) {
    %c0_i32 = arith.constant 0 : i32
    %c0_i32_0 = arith.constant 0 : i32
    %c0_i32_1 = arith.constant 0 : i32
    return %c0_i32, %c0_i32_0 : i32, i32
  }
  func.func @transform_4(%arg0: i32, %arg1: i32) -> (i32, i32) {
    %c0_i32 = arith.constant 0 : i32
    %c0_i32_0 = arith.constant 0 : i32
    %c0_i32_1 = arith.constant 0 : i32
    return %c0_i32, %c0_i32_0 : i32, i32
  }
  func.func @transform_5(%arg0: i32, %arg1: i32) -> (i32, i32) {
    %c0_i32 = arith.constant 0 : i32
    %c0_i32_0 = arith.constant 0 : i32
    %c0_i32_1 = arith.constant 0 : i32
    return %c0_i32, %c0_i32_0 : i32, i32
  }
  func.func @transform_6(%arg0: i32, %arg1: i32) -> (i32, i32) {
    %c0_i32 = arith.constant 0 : i32
    %c0_i32_0 = arith.constant 0 : i32
    %c0_i32_1 = arith.constant 0 : i32
    return %c0_i32, %c0_i32_0 : i32, i32
  }
  func.func @transform_7(%arg0: i32, %arg1: i32) -> (i32, i32) {
    %c0_i32 = arith.constant 0 : i32
    %c0_i32_0 = arith.constant 0 : i32
    %c0_i32_1 = arith.constant 0 : i32
    return %c0_i32, %c0_i32_0 : i32, i32
  }
  func.func @transform_8(%arg0: i32, %arg1: i32) -> (i32, i32, i32) {
    %c0_i32 = arith.constant 0 : i32
    %c0_i32_0 = arith.constant 0 : i32
    %c0_i32_1 = arith.constant 0 : i32
    return %arg0, %c0_i32, %c0_i32_0 : i32, i32, i32
  }
  func.func @transform_9(%arg0: i32, %arg1: i32) -> (i32, i32, i32) {
    %c0_i32 = arith.constant 0 : i32
    %c0_i32_0 = arith.constant 0 : i32
    %c0_i32_1 = arith.constant 0 : i32
    return %arg0, %c0_i32, %c0_i32_0 : i32, i32, i32
  }
  func.func @transform_10(%arg0: i32, %arg1: i32) -> (i32, i32, i32) {
    %c0_i32 = arith.constant 0 : i32
    %c0_i32_0 = arith.constant 0 : i32
    %c0_i32_1 = arith.constant 0 : i32
    return %arg0, %c0_i32, %c0_i32_0 : i32, i32, i32
  }
}

module attributes {stable_mosaic.version = 14 : i64} {
  func.func @_merge_kernel(%arg0: i32, %arg1: i32, %arg2: memref<1x512x1024xf32, #tpu.memory_space<vmem>>, %arg3: memref<1x48x1024xf32, #tpu.memory_space<vmem>>, %arg4: memref<1x1x48xi32, #tpu.memory_space<vmem>>, %arg5: memref<1x512x1024xf32, #tpu.memory_space<vmem>>) attributes {dimension_semantics = [#tpu.dimension_semantics<arbitrary>, #tpu.dimension_semantics<arbitrary>], iteration_bounds = array<i64: 2, 4>, scalar_prefetch = 0 : i64, scratch_operands = 0 : i64, tpu.core_type = #tpu.core_type<tc>, window_params = [{transform_indices = @transform_0, window_bounds = array<i64: 1, 512, 1024>}, {transform_indices = @transform_1, window_bounds = array<i64: 1, 48, 1024>}, {transform_indices = @transform_2, window_bounds = array<i64: 1, 1, 48>}, {transform_indices = @transform_3, window_bounds = array<i64: 1, 512, 1024>}]} {
    %mul3A = arith.constant 512 : i32
    %mul3A_0 = arith.muli %arg1, %mul3A : i32
    %iota3A = tpu.iota {dimensions = array<i32: 0>} : vector<512x48xi32>
    %add3A = vector.broadcast %mul3A_0 : i32 to vector<512x48xi32>
    %add3A_1 = arith.addi %iota3A, %add3A : vector<512x48xi32>
    %iota3A_2 = tpu.iota {dimensions = array<i32: 1>} : vector<512x48xi32>
    %get3A = arith.constant 0 : index
    %get3A_3 = arith.constant 0 : index
    %get3A_4 = arith.constant 0 : index
    %get3A_5 = vector.load %arg4[%get3A, %get3A_3, %get3A_4] : memref<1x1x48xi32, #tpu.memory_space<vmem>>, vector<1x1x48xi32>
    %get3A_6 = vector.shape_cast %get3A_5 : vector<1x1x48xi32> to vector<1x48xi32>
    %eq3A = vector.broadcast %get3A_6 : vector<1x48xi32> to vector<512x48xi32>
    %eq3A_7 = arith.cmpi eq, %add3A_1, %eq3A : vector<512x48xi32>
    %lt3A = arith.constant 46 : i32
    %lt3A_8 = vector.broadcast %lt3A : i32 to vector<512x48xi32>
    %lt3A_9 = arith.cmpi slt, %iota3A_2, %lt3A_8 : vector<512x48xi32>
    %and3A = arith.andi %eq3A_7, %lt3A_9 : vector<512x48xi1>
    %convert_element_type3A = arith.extui %and3A : vector<512x48xi1> to vector<512x48xi32>
    %convert_element_type3A_10 = arith.sitofp %convert_element_type3A : vector<512x48xi32> to vector<512x48xf32>
    %convert_element_type3A_11 = arith.truncf %convert_element_type3A_10 : vector<512x48xf32> to vector<512x48xbf16>
    %get3A_12 = arith.constant 0 : index
    %get3A_13 = arith.constant 0 : index
    %get3A_14 = arith.constant 0 : index
    %get3A_15 = vector.load %arg2[%get3A_12, %get3A_13, %get3A_14] : memref<1x512x1024xf32, #tpu.memory_space<vmem>>, vector<1x512x1024xf32>
    %get3A_16 = vector.shape_cast %get3A_15 : vector<1x512x1024xf32> to vector<512x1024xf32>
    %get3A_17 = arith.constant 0 : index
    %get3A_18 = arith.constant 0 : index
    %get3A_19 = arith.constant 0 : index
    %get3A_20 = vector.load %arg3[%get3A_17, %get3A_18, %get3A_19] : memref<1x48x1024xf32, #tpu.memory_space<vmem>>, vector<1x48x1024xf32>
    %get3A_21 = vector.shape_cast %get3A_20 : vector<1x48x1024xf32> to vector<48x1024xf32>
    %convert_element_type3A_22 = arith.truncf %get3A_21 : vector<48x1024xf32> to vector<48x1024xbf16>
    %dot_general3A = arith.constant dense<0.000000e+00> : vector<512x1024xf32>
    %dot_general3A_23 = tpu.matmul %convert_element_type3A_11, %convert_element_type3A_22, %dot_general3A {dimension_numbers = #tpu.dot_dimension_numbers<[1], [0], [0], [1], [0, 0, 1, 1], [], []>, transpose_lhs_hint = false} : vector<512x48xbf16>, vector<48x1024xbf16>, vector<512x1024xf32> -> vector<512x1024xf32>
    %add3A_24 = arith.addf %get3A_16, %dot_general3A_23 : vector<512x1024xf32>
    %swap3A = arith.constant 0 : index
    %swap3A_25 = arith.constant 0 : index
    %swap3A_26 = arith.constant 0 : index
    %swap3A_27 = vector.load %arg5[%swap3A, %swap3A_25, %swap3A_26] : memref<1x512x1024xf32, #tpu.memory_space<vmem>>, vector<1x512x1024xf32>
    %swap3A_28 = vector.shape_cast %swap3A_27 : vector<1x512x1024xf32> to vector<512x1024xf32>
    %swap3A_29 = vector.shape_cast %add3A_24 : vector<512x1024xf32> to vector<1x512x1024xf32>
    tpu.vector_store %arg5[%swap3A, %swap3A_25, %swap3A_26], %swap3A_29 {strides = array<i32>} : memref<1x512x1024xf32, #tpu.memory_space<vmem>>, vector<1x512x1024xf32>,
    return
  }
  func.func @transform_0(%arg0: i32, %arg1: i32) -> (i32, i32, i32) {
    %c0_i32 = arith.constant 0 : i32
    %c0_i32_0 = arith.constant 0 : i32
    return %arg0, %arg1, %c0_i32 : i32, i32, i32
  }
  func.func @transform_1(%arg0: i32, %arg1: i32) -> (i32, i32, i32) {
    %c0_i32 = arith.constant 0 : i32
    %c0_i32_0 = arith.constant 0 : i32
    %c0_i32_1 = arith.constant 0 : i32
    return %arg0, %c0_i32, %c0_i32_0 : i32, i32, i32
  }
  func.func @transform_2(%arg0: i32, %arg1: i32) -> (i32, i32, i32) {
    %c0_i32 = arith.constant 0 : i32
    %c0_i32_0 = arith.constant 0 : i32
    %c0_i32_1 = arith.constant 0 : i32
    return %arg0, %c0_i32, %c0_i32_0 : i32, i32, i32
  }
  func.func @transform_3(%arg0: i32, %arg1: i32) -> (i32, i32, i32) {
    %c0_i32 = arith.constant 0 : i32
    %c0_i32_0 = arith.constant 0 : i32
    return %arg0, %arg1, %c0_i32 : i32, i32, i32
  }
}

</mosaic_0001>

<sc_bundles>
// kernel: kernel.6.cloned.1.call-start
scs
__scs_entry_jumppad:
0x0: {  	(pc) =	sbr.rel $0x88, $3  }
0x1: {  	(tag) =	ssettag $0x0;
	lr =	simm.s32 $0x1  }
0x2: {  	[smem:$0x3F9B] =	sst lr;
	_ =	strace $0xD0000000  }
0x3: {  	_ = 	snop  }
0x4: {  	_ = 	snop  }
0x5: {  	_ = 	snop  }
0x6: {  	_ = 	snop  }
0x7: {  	_ = 	snop  }
__scs_overlays_trampoline_lowered:
0x8: {  	[smem:$0x3FAA] =	sst s0  }
0x9: {  	[smem:$0x3FAB] =	sst s1  }
0xa: {  	[smem:$0x3FAC] =	sst s2  }
0xb: {  	[smem:$0x3FAD] =	sst s3  }
0xc: {  	[smem:$0x3FAE] =	sst s4  }
0xd: {  	[smem:$0x3FAF] =	sst s5  }
0xe: {  	[smem:$0x3FB0] =	sst s6  }
0xf: {  	[smem:$0x3FB1] =	sst s7  }
0x10: {  	[smem:$0x3FB2] =	sst s8  }
0x11: {  	[smem:$0x3FB3] =	sst s9;
	s0 =	simm.s32 @!p0 $0x0  }
0x12: {  	s1 =	sld [smem:$0x3F99];
	s0 =	simm.s32 @p0 $0x1  }
0x13: {  	[smem:$0x3FB4] =	sst s0;
	s0 =	simm.s32 @!p1 $0x0  }
0x14: {  	s2 =	sld [smem:$0x3F98];
	s0 =	simm.s32 @p1 $0x1  }
0x15: {  	[smem:$0x3FB5] =	sst s0;
	s0 =	simm.s32 @!p2 $0x0  }
0x16: {  	s3 =	sld [smem:$0x3FDB];
	s0 =	simm.s32 @p2 $0x1  }
0x17: {  	s4 =	simm.s32 $0x1BF5;
	[smem:$0x3FB7] =	sst s0  }
0x18: {  	s0 =	sld [smem:$0x3F9A];
	_ =	swait.ge [sflag:s4], $0x0  }
0x19: {  	s7 =	sld [smem:$0x3F9B]  }
0x1a: {  	s8 =	sadd.s32 $0xFFFFE003, lr  }
0x1b: {  	s9 =	sadd.s32 $0xFFFFFEF7, lr;
	s5 =	simm.s32 $0xFFFFFFFF;
	p2 =	slt.u32 s8, $0xFFFFF086  }
0x1c: {  	p1 =	slt.u32 s9, $0xF7A;
	s5 =	simm.s32 @!p2 $0x0  }
0x1d: {  	s5 =	simm.s32 @p1 $0x1;
	p0 =	seq.s32 s7, s2  }
0x1e: {  	s7 =	smul.u32 @!p0 $0xF7A, s2;
	p2 =	seq.s32 @!p0 s5, $0x0  }
0x1f: {  	s9 =	smul.u32 $0xF7A, s1;
	s8 =	simm.s32 @!p0 $0x1BF5;
	p2 =	por !p2, p0  }
0x20: {  	[sflag:s8] =	ssyncset.s32 @!p0 $0xFFFFF086;
	s6 =	sadd.s32 @!p0 s3, s7;
	s7 =	simm.s32 @!p0 $0x108  }
0x21: {  	s3 =	sadd.s32 s3, s9;
	s6 =	sadd.s32 @!p0 $0x88, s6;
	s7 =	simm.s32 @p2 $0x1082  }
0x22: {  	[simem:s7], [sflag:s8] =	dma.local @!p0 [hbm:s6], $0xF7A  }
0x23: {  	s9 =	sor.u32 $0xD0000000, s2;
	s6 =	simm.s32 $0x108;
	_ =	swait.ge @!p0 [sflag:s8], $0x0  }
0x24: {  	s3 =	sadd.s32 $0x88, s3;
	s6 =	simm.s32 @!p1 $0x1082;
	[sflag:s4] =	ssyncset.s32 $0xFFFFF086  }
0x25: {  	[simem:s6], [sflag:s4] =	dma.local [hbm:s3], $0xF7A  }
0x26: {  	[smem:$0x3F9B] =	sst s1;
	(tag) =	ssettag s2;
	_ =	strace s9  }
0x27: {  	s1 =	sld [smem:$0x3FAB]  }
0x28: {  	s2 =	sld [smem:$0x3FAC]  }
0x29: {  	s4 =	sld [smem:$0x3FAE]  }
0x2a: {  	p0 =	seq.s32 s5, $0x0;
	s5 =	sld [smem:$0x3FAF]  }
0x2b: {  	s6 =	sld [smem:$0x3FB0]  }
0x2c: {  	s7 =	sld [smem:$0x3FB1]  }
0x2d: {  	s3 =	simm.s32 $0x108;
	s8 =	sld [smem:$0x3FB2]  }
0x2e: {  	s3 =	simm.s32 @!p0 $0x1082;
	s9 =	sld [smem:$0x3FB3]  }
0x2f: {  	lr =	sadd.s32 s0, s3;
	s0 =	sld [smem:$0x3FAA]  }
0x30: {  	s3 =	sld [smem:$0x3FAD]  }
0x31: {  	[smem:$0x3FB6] =	sst s10  }
0x32: {  	s10 =	sld [smem:$0x3FB4];
	_ =	sdelay $0x3  }
0x33: {  	p0 =	seq.s32 s10, $0x1;
	s10 =	sld [smem:$0x3FB6];
	_ =	sdelay $0x3  }
0x34: {  	[smem:$0x3FB6] =	sst s10  }
0x35: {  	s10 =	sld [smem:$0x3FB5];
	_ =	sdelay $0x3  }
0x36: {  	p1 =	seq.s32 s10, $0x1;
	s10 =	sld [smem:$0x3FB6];
	_ =	sdelay $0x3  }
0x37: {  	[smem:$0x3FB6] =	sst s10  }
0x38: {  	s10 =	sld [smem:$0x3FB7]  }
0x39: {  	_ = 	snop;
	(pc) =	sbr.ind lr, $3  }
0x3a: {  	_ = 	snop  }
0x3b: {  	_ = 	snop  }
0x3c: {  	p2 =	seq.s32 s10, $0x1;
	s10 =	sld [smem:$0x3FB6]  }
0x3d: {  	_ =	shalt  }
0x3e: {  	_ =	shalt  }
0x3f: {  	_ =	shalt  }
0x40: {  	_ =	shalt  }
0x41: {  	_ =	shalt  }
0x42: {  	_ =	shalt  }
0x43: {  	_ =	shalt  }
0x44: {  	_ =	shalt  }
0x45: {  	_ =	shalt  }
0x46: {  	_ =	shalt  }
0x47: {  	_ =	shalt  }
0x48: {  	_ =	shalt  }
0x49: {  	_ =	shalt  }
0x4a: {  	_ =	shalt  }
0x4b: {  	_ =	shalt  }
0x4c: {  	_ =	shalt  }
0x4d: {  	_ =	shalt  }
0x4e: {  	_ =	shalt  }
0x4f: {  	_ =	shalt  }
0x50: {  	_ =	shalt  }
0x51: {  	_ =	shalt  }
0x52: {  	_ =	shalt  }
0x53: {  	_ =	shalt  }
0x54: {  	_ =	shalt  }
0x55: {  	_ =	shalt  }
0x56: {  	_ =	shalt  }
0x57: {  	_ =	shalt  }
0x58: {  	_ =	shalt  }
0x59: {  	_ =	shalt  }
0x5a: {  	_ =	shalt  }
0x5b: {  	_ =	shalt  }
0x5c: {  	_ =	shalt  }
0x5d: {  	_ =	shalt  }
0x5e: {  	_ =	shalt  }
0x5f: {  	_ =	shalt  }
0x60: {  	_ =	shalt  }
0x61: {  	_ =	shalt  }
0x62: {  	_ =	shalt  }
0x63: {  	_ =	shalt  }
0x64: {  	_ =	shalt  }
0x65: {  	_ =	shalt  }
0x66: {  	_ =	shalt  }
0x67: {  	_ =	shalt  }
0x68: {  	_ =	shalt  }
0x69: {  	_ =	shalt  }
0x6a: {  	_ =	shalt  }
0x6b: {  	_ =	shalt  }
0x6c: {  	_ =	shalt  }
0x6d: {  	_ =	shalt  }
0x6e: {  	_ =	shalt  }
0x6f: {  	_ =	shalt  }
0x70: {  	_ =	shalt  }
0x71: {  	_ =	shalt  }
0x72: {  	_ =	shalt  }
0x73: {  	_ =	shalt  }
0x74: {  	_ =	shalt  }
0x75: {  	_ =	shalt  }
0x76: {  	_ =	shalt  }
0x77: {  	_ =	shalt  }
0x78: {  	_ =	shalt  }
0x79: {  	_ =	shalt  }
0x7a: {  	_ =	shalt  }
0x7b: {  	_ =	shalt  }
0x7c: {  	_ =	shalt  }
0x7d: {  	_ =	shalt  }
0x7e: {  	_ =	shalt  }
0x7f: {  	_ =	shalt  }
0x80: {  	_ =	shalt  }
0x81: {  	_ =	shalt  }
0x82: {  	_ =	shalt  }
0x83: {  	_ =	shalt  }
0x84: {  	_ =	shalt  }
0x85: {  	_ =	shalt  }
0x86: {  	_ =	shalt  }
0x87: {  	_ =	shalt  }
.Lfunc_end0:
.L_simem_size_0:
called_computation_lowered:
.L_overlay_start_0:
0x88: {  	s2 =	sld [smem:$0x3FD9]  }
0x89: {  	s3 =	sld [smem:$0x3FFE];
	_ =	sdelay $0x1  }
0x8a: {  	s1 =	srdreg.scid  }
0x8b: {  	s0 =	sand.u32 $0x1, s1  }
0x8c: {  	s17 =	sshll.u32 s0, $0xA;
	s2 =	sadd.s32 s3, s2  }
0x8d: {  	s2 =	sadd.s32 s2, s17  }
0x8e: {  	[smem:$0x3FC2] =	sst s2  }
0x8f: {  	_ = 	snop  }
0x90: {  	s2 =	sld [smem:$0x3FC9]  }
0x91: {  	s18 =	sld [smem:$0x3FD0];
	(tm) =	ssettm $0x1  }
0x92: {  	s4 =	sld [smem:$0x3FFB];
	_ =	sdelay $0x3  }
0x93: {  	_ =	strace s4  }
0x94: {  	s4 =	sld [smem:$0x3FFC];
	_ =	sdelay $0x3  }
0x95: {  	_ =	strace s4  }
0x96: {  	s4 =	sld [smem:$0x3FFD];
	_ =	sdelay $0x3  }
0x97: {  	_ =	strace s4  }
0x98: {  	_ =	strace $0x8FFFFFFF  }
0x99: {  	s19 =	sld [smem:$0x3FDB];
	_ =	sdelay $0x1  }
0x9a: {  	s5 =	simm.s32 $_scs_section_size  }
0x9b: {  	s6 =	simm.s32 $_size__tile_overlayer_lowered;
	s7 =	simm.s32 $_tile_overlayer_lowered  }
0x9c: {  	s22 =	simm.s32 $0x1BFF;
	s21 =	sshll.u32 s7, $0x1;
	s4 =	sadd.s32 s5, s19  }
0x9d: {  	s8 =	simm.s32 $0x0;
	s20 =	sshll.u32 s6, $0x1;
	s6 =	sadd.s32 s21, s4  }
0x9e: {  	[timem:s8], [sflag:s22] =	dma.local [hbm:s6], s20  }
0x9f: {  	_ =	swait.ge [sflag:s22], s20  }
0xa0: {  	s5 =	ssub.s32 $0x0, s20;
	[sflag:s22] =	ssyncset.done $0x0  }
0xa1: {  	[sflag:s22] =	ssyncadd.s32 s5;
	_ =	sdelay $0x1  }
0xa2: {  	s23 =	simm.s32 $0x1B8B  }
0xa3: {  	_ =	swait.ge [sflag:s23], $0x1  }
0xa4: {  	[sflag:s23] =	ssyncset.done $0x0  }
0xa5: {  	s25 =	simm.s32 $0x1B8E;
	s24 =	sld [smem:$0x3FFE];
	[sflag:s23] =	ssyncadd.s32 $0xFFFFFFFF  }
0xa6: {  	s26 =	simm.s32 $execute0_lowered;
	[smem:$0x3FD2] =	sst s25  }
0xa7: {  	s6 =	sshll.u32 s26, $0x1;
	_ =	strace $0x80000046;
	[dreg:$0x1] =	wrdreg $0xFFFFFFFF  }
0xa8: {  	s28 =	simm.s32 $_size_execute0_lowered;
	s4 =	sadd.s32 s4, s6;
	[dreg:$0x0] =	wrdreg $0x0  }
0xa9: {  	s6 =	sshll.u32 s28, $0x1;
	[dreg:$0x2] =	wrdreg s4  }
0xaa: {  	[dreg:$0x3] =	wrdreg s6  }
0xab: {  	[dreg:$0x4] =	wrdreg $0xC0  }
0xac: {  	_ =	task [dreg:s8], $0x5FFFF  }
0xad: {  	[dreg:$0x1] =	wrdreg $0xFFFFFFFF  }
0xae: {  	[dreg:$0x0] =	wrdreg $0x60  }
0xaf: {  	[dreg:$0x2] =	wrdreg s2  }
0xb0: {  	[dreg:$0x3] =	wrdreg s24  }
0xb1: {  	[dreg:$0x4] =	wrdreg s18  }
0xb2: {  	[dreg:$0x5] =	wrdreg $0x9  }
0xb3: {  	_ =	task.clear_ibuf [dreg:s8], $0x6FFFF;
	_ =	strace $0x90000046  }
0xb4: {  	s29 =	simm.s32 $0x9;
	_ =	strace $0x80000048  }
0xb5: {  	_ =	swait.ge [sflag:s29], $0x1  }
0xb6: {  	[sflag:s29] =	ssyncadd.s32 $0xFFFFFFFF  }
0xb7: {  	_ =	strace $0x90000048  }
0xb8: {  	_ =	sfence  }
0xb9: {  	s30 =	sld [smem:$0x0];
	_ =	sdelay $0x2  }
0xba: {  	s31 =	sshll.u32 s1, $0xD;
	s1 =	sshrl.u32 s1, $0x2  }
0xbb: {  	s3 =	sand.u32 $0x4000, s31;
	s1 =	sadd.s32 s1, s30  }
0xbc: {  	s0 =	sor.u32 s3, s0;
	s1 =	sshll.u32 s1, $0x11  }
0xbd: {  	s0 =	sor.u32 s1, s0  }
0xbe: {  	s0 =	sadd.s32 $0x8F2B, s0  }
0xbf: {  	[sflag:s0] =	ssyncadd.remote.s32 $0x1  }
0xc0: {  	_ =	sfence.sel $0xFFFF  }
0xc1: {  	[dreg:$0x0] =	wrdreg $0xFFFFFFFF;
	(pc) =	sbr.abs _section_cstart, $3  }
0xc2: {  	[dreg:$0x1] =	wrdreg $0xFFFFFFFF  }
0xc3: {  	_ =	task.clear_ibuf [dreg:s8], $0x2FFFF;
	_ =	strace $0x9FFFFFFF  }
0xc4: {  	(tm) =	ssettm $0x7FFFFFFF  }
0xc5: {  	_ =	shalt  }
tec
execute0_lowered:
.L_overlay_start_1:
0x0: {  	(tag) =	ssettag $0x1  }
0x1: {  	s1 =	stileid.u32  }
0x2: {  	p0 =	sgt.u32 s1, $0x5  }
.Ltmp0:
0x3: {  	s2 =	rddreg [dreg:$0x0];
	(pc) =	sbr.rel @p0 .LBB2_4-.Ltmp0, $4  }
0x4: {  	s4 =	rddreg [dreg:$0x1]  }
0x5: {  	s14 =	rddreg [dreg:$0x2];
	s3 =	simm.s32 $0x0  }
0x6: {  	[smem:$0x7FF] =	sst s3  }
0x7: {  	s0 =	rddreg [dreg:$0x3];
	_ =	strace $0x80000047  }
0x8: {  	s5 =	srdreg.scid  }
0x9: {  	s30 =	sshll.u32 s1, $0x1;
	s12 =	sand.u32 $0x1, s5  }
0xa: {  	s4 =	sadd.s32 $0x2400, s4;
	s15 =	sor.u32 s12, s30  }
0xb: {  	s5 =	sadd.s32 s4, s15;
	s4 =	simm.s32 $0x2  }
0xc: {  	[tilespmem:s3], [sflag:$0x2] =	stream.linear.gather [hbm4b:s5+s3], $0x8, $0x38;
	[tilespmem:$0x2080] =	vst v63  }
0xd: {  	_ =	swait.ge [sflag:s4], $0x8  }
0xe: {  	[sflag:s4] =	ssyncset.done $0x0  }
0xf: {  	[sflag:s4] =	ssyncadd.s32 $0xFFFFFFF8  }
0x10: {  	v0 =	vld.msk [tilespmem:$0x0], $0xff;
	_ =	sdelay $0x4  }
0x11: {  	v1 =	vshll.u32 v0, $0x3  }
0x12: {  	v2 =	vlaneseq.u32;
	v3 =	vand.u32 $0x7, v0;
	v1 =	vand.u32 $0xFFFFFFC0, v1  }
0x13: {  	v0 =	vand.u32 $0x7, v2;
	v2 =	vshrl.u32 v2, $0x3;
	v3 =	vor.u32 v3, v1  }
0x14: {  	v1 =	vmul.u32 $0x8, v2;
	v2 =	vperm.xlane v3, v0;
	_ =	sdelay $0x1  }
0x15: {  	v2 =	vadd.s32 v1, v2;
	_ =	sdelay $0x3  }
0x16: {  	vm0 =	vmmov $0xffff;
	s6 =	simm.s32 $0x80;
	s7 =	sadd.s32 $0x100, s2;
	s16 =	ssub.s32 $0x2, s12  }
0x17: {  	[tilespmem:s6], [sflag:$0x1] =	stream.indirect_vreg.gather [hbm4b:s2+s3], $0x80, v2, vm0, $0xb8;
	[tilespmem:$0x2080] =	vst v63  }
0x18: {  	s8 =	simm.s32 $0x880;
	s9 =	sadd.s32 $0x200, s2;
	s17 =	sshrl.u32 s16, $0x1  }
0x19: {  	[tilespmem:s8], [sflag:$0x1] =	stream.indirect_vreg.gather [hbm4b:s7+s3], $0x80, v2, vm0, $0xb8;
	[tilespmem:$0x2080] =	vst v63  }
0x1a: {  	s10 =	sadd.s32 $0x300, s2;
	s11 =	simm.s32 $0x1080;
	s16 =	ssub.s32 s16, s17  }
0x1b: {  	[tilespmem:s11], [sflag:$0x1] =	stream.indirect_vreg.gather [hbm4b:s9+s3], $0x80, v2, vm0, $0xb8;
	[tilespmem:$0x2080] =	vst v63  }
0x1c: {  	s13 =	simm.s32 $0x1;
	s12 =	simm.s32 $0x1880;
	s31 =	smax.u32 s16, $0x1  }
0x1d: {  	[tilespmem:s12], [sflag:$0x1] =	stream.indirect_vreg.gather [hbm4b:s10+s3], $0x80, v2, vm0, $0xb8;
	[tilespmem:$0x2080] =	vst v63  }
0x1e: {  	p0 =	sne.s32 s31, $0x1;
	_ =	swait.ge [sflag:s13], $0x2000  }
.Ltmp1:
0x1f: {  	s15 =	sshll.u32 s15, $0xA;
	[sflag:s13] =	ssyncset.done $0x0;
	(pc) =	sbr.rel @!p0 .LBB2_3-.Ltmp1, $4  }
0x20: {  	s14 =	sadd.s32 s14, s15;
	[sflag:s13] =	ssyncadd.s32 $0xFFFFE000  }
0x21: {  	[hbm4b:s14+s3] =	stream.linear.scatter [tilespmem:s6], [sflag:$0x2], $0x2000, $0x38;
	[tilespmem:$0x2080] =	vst v63  }
0x22: {  	_ =	swait.ge [sflag:s4], $0x2000  }
0x23: {  	s15 =	sadd.s32 $0xFFFFFFFF, s31;
	[sflag:s4] =	ssyncset.done $0x0  }
.LBB2_2:
0x24: {  	p0 =	sne.s32 s15, $0x1;
	s15 =	sadd.s32 $0xFFFFFFFF, s15;
	[sflag:s4] =	ssyncadd.s32 $0xFFFFE000  }
0x25: {  	[tilespmem:s3], [sflag:$0x2] =	stream.linear.gather [hbm4b:s5+s3], $0x8, $0x38;
	[tilespmem:$0x2080] =	vst v63  }
0x26: {  	_ =	swait.ge [sflag:s4], $0x8  }
0x27: {  	[sflag:s4] =	ssyncset.done $0x0  }
0x28: {  	[sflag:s4] =	ssyncadd.s32 $0xFFFFFFF8  }
0x29: {  	v2 =	vld.msk [tilespmem:$0x0], $0xff;
	_ =	sdelay $0x4  }
0x2a: {  	v3 =	vshll.u32 v2, $0x3  }
0x2b: {  	v2 =	vand.u32 $0x7, v2;
	v3 =	vand.u32 $0xFFFFFFC0, v3  }
0x2c: {  	v2 =	vor.u32 v2, v3  }
0x2d: {  	v2 =	vperm.xlane v2, v0;
	_ =	sdelay $0x1  }
0x2e: {  	v2 =	vadd.s32 v1, v2;
	_ =	sdelay $0x4  }
0x2f: {  	[tilespmem:s6], [sflag:$0x1] =	stream.indirect_vreg.gather [hbm4b:s2+s3], $0x80, v2, vm0, $0xb8;
	[tilespmem:$0x2080] =	vst v63  }
0x30: {  	_ = 	snop  }
0x31: {  	[tilespmem:s8], [sflag:$0x1] =	stream.indirect_vreg.gather [hbm4b:s7+s3], $0x80, v2, vm0, $0xb8;
	[tilespmem:$0x2080] =	vst v63  }
0x32: {  	_ = 	snop  }
0x33: {  	[tilespmem:s11], [sflag:$0x1] =	stream.indirect_vreg.gather [hbm4b:s9+s3], $0x80, v2, vm0, $0xb8;
	[tilespmem:$0x2080] =	vst v63  }
0x34: {  	_ = 	snop  }
0x35: {  	[tilespmem:s12], [sflag:$0x1] =	stream.indirect_vreg.gather [hbm4b:s10+s3], $0x80, v2, vm0, $0xb8;
	[tilespmem:$0x2080] =	vst v63  }
0x36: {  	_ =	swait.ge [sflag:s13], $0x2000  }
.Ltmp2:
0x37: {  	[sflag:s13] =	ssyncset.done $0x0;
	(pc) =	sbr.rel @p0 .LBB2_2-.Ltmp2, $4  }
0x38: {  	[sflag:s13] =	ssyncadd.s32 $0xFFFFE000  }
0x39: {  	[hbm4b:s14+s3] =	stream.linear.scatter [tilespmem:s6], [sflag:$0x2], $0x2000, $0x38;
	[tilespmem:$0x2080] =	vst v63  }
0x3a: {  	_ =	swait.ge [sflag:s4], $0x2000  }
0x3b: {  	[sflag:s4] =	ssyncset.done $0x0  }
.LBB2_3:
0x3c: {  	[sflag:s4] =	ssyncadd.s32 $0xFFFFE000  }
.LBB2_4:
0x3d: {  	_ =	sfence.sel $0x180000  }
0x3e: {  	[bflag:$0x0] =	sbarrier.arrive $0xFFFF  }
0x3f: {  	p0 =	sne.s32 s1, $0x0;
	_ =	strace $0x90000047  }
0x40: {  	s0 =	sadd.s32 @!p0 $0x100000, s0;
	[bflag:$0x2] =	sbarrier.arrive $0xFFFF  }
0x41: {  	[sflag:s0] =	ssyncadd.tile.s32 @!p0 $0x1;
	_ =	shalt  }
.Lfunc_end2:
_tile_overlayer_lowered:
.L_overlay_start_2:
0x42: {  	(tag) =	ssettag $0x2  }
0x43: {  	s0 =	rddreg [dreg:$0x0];
	s2 =	stileid.u32  }
0x44: {  	s1 =	rddreg [dreg:$0x1];
	p0 =	sne.s32 s2, $0x0  }
0x45: {  	s3 =	rddreg [dreg:$0x2];
	[bflag:$0x3] =	sbarrier.arrive $0xFFFF;
	s2 =	simm.s32 @!p0 $0x1C02  }
0x46: {  	[timem:s3], [sflag:s2] =	dma.local @!p0 [hbm:s0], s1  }
0x47: {  	s0 =	simm.s32 @!p0 $0x2  }
0x48: {  	_ =	swait.ge @!p0 [sflag:s0], s1  }
0x49: {  	s1 =	ssub.s32 @!p0 $0x0, s1;
	[sflag:s0] =	ssyncset.done @!p0 $0x0  }
0x4a: {  	[sflag:s0] =	ssyncadd.s32 @!p0 s1  }
0x4b: {  	[bflag:$0x3] =	sbarrier.arrive $0xFFFF  }
0x4c: {  	_ =	shalt  }

</sc_bundles>
